<compile_context>
chip_gen: v7x
topology: tpu7x:2x2x1
jax: 0.10.2.dev20260603
libtpu: 0.0.44.dev20260713+nightly
codegen_flags: <defaults>
</compile_context>

<pallas_src>
import functools

import jax
import numpy as np
import jax.numpy as jnp
from jax import lax
from jax.experimental import pallas as pl
from jax.experimental.pallas import tpu as pltpu
from jax.experimental.pallas import tpu_sc as plsc

_M = 1000000
_B = 16384
_D_MSG = 128
_D_MEM = 64

_NC = 2
_NS = 16
_NW = _NC * _NS
_L = 16

_SLAB = _M // _NW
_B_PER_W = _B // _NW
_CH = 128
_CAP = 2048


def _gather_body(mem_hbm, ids_hbm, h_hbm, idx_v, rows_v, sem):
    wid = lax.axis_index("s") * jnp.int32(_NC) + lax.axis_index("c")
    base = wid * jnp.int32(_B_PER_W)
    pltpu.sync_copy(ids_hbm.at[pl.ds(base, _B_PER_W)], idx_v)
    cps = []
    for c in range(_B_PER_W // _CH):
        cps.append(pltpu.async_copy(
            mem_hbm.at[idx_v.at[pl.ds(c * _CH, _CH)]],
            rows_v.at[pl.ds(c * _CH, _CH)], sem))
    for cp in cps:
        cp.wait()
    pltpu.sync_copy(rows_v, h_hbm.at[pl.ds(base, _B_PER_W)])


_SC_PARAMS = pltpu.CompilerParams(use_tc_tiling_on_sc=False,
                                  needs_layout_passes=False)

_sc_gather = functools.partial(
    pl.kernel,
    out_type=jax.ShapeDtypeStruct((_B, _D_MEM), jnp.float32),
    mesh=plsc.VectorSubcoreMesh(core_axis_name="c", subcore_axis_name="s"),
    compiler_params=_SC_PARAMS,
    scratch_types=[
        pltpu.VMEM((_B_PER_W,), jnp.int32),
        pltpu.VMEM((_B_PER_W, _D_MEM), jnp.float32),
        pltpu.SemaphoreType.DMA,
    ],
)(_gather_body)


def _gru_body(x_ref, h_ref, wr, wz, wn, ur, uz, un, br, bz, bi, bh, o_ref):
    x = x_ref[...]
    h = h_ref[...]

    def dot(a, b):
        return lax.dot_general(a, b, (((1,), (1,)), ((), ())),
                               preferred_element_type=jnp.float32)

    r = jax.nn.sigmoid(dot(x, wr[...]) + dot(h, ur[...]) + br[...])
    z = jax.nn.sigmoid(dot(x, wz[...]) + dot(h, uz[...]) + bz[...])
    n = jnp.tanh(dot(x, wn[...]) + bi[...] + r * (dot(h, un[...]) + bh[...]))
    o_ref[...] = (1.0 - z) * n + z * h


def _tc_gru(x, h, wr, wz, wn, ur, uz, un, br, bz, bi, bh):
    blk = 1024
    grid = _B // blk
    z32 = np.int32(0)
    full = lambda shape: pl.BlockSpec(shape, lambda i: (z32, z32))
    return pl.pallas_call(
        _gru_body,
        grid=(grid,),
        in_specs=[
            pl.BlockSpec((blk, _D_MSG), lambda i: (i, z32)),
            pl.BlockSpec((blk, _D_MEM), lambda i: (i, z32)),
            full((_D_MEM, _D_MSG)), full((_D_MEM, _D_MSG)), full((_D_MEM, _D_MSG)),
            full((_D_MEM, _D_MEM)), full((_D_MEM, _D_MEM)), full((_D_MEM, _D_MEM)),
            full((1, _D_MEM)), full((1, _D_MEM)), full((1, _D_MEM)), full((1, _D_MEM)),
        ],
        out_specs=pl.BlockSpec((blk, _D_MEM), lambda i: (i, z32)),
        out_shape=jax.ShapeDtypeStruct((_B, _D_MEM), jnp.float32),
    )(x, h, wr, wz, wn, ur, uz, un, br, bz, bi, bh)




def _scatter_body(mem_hbm, lu_hbm, ids_hbm, newh_hbm, ts_hbm,
                  ids_v, ids_c, i_c, tag, wrow, rowbuf, tsbuf, sem_g, sem_s):
    sck = lax.axis_index("c")
    s = lax.axis_index("s")
    wid = sck * jnp.int32(_NS) + s
    base = wid * jnp.int32(_SLAB)

    pltpu.sync_copy(ids_hbm, ids_v)
    lane = lax.iota(jnp.int32, _L)
    zero16 = jnp.zeros((_L,), jnp.int32)

    def scan_body(it, carry):
        idv = ids_v[pl.ds(it * jnp.int32(_L), _L)]
        m = (idv >= base) & (idv < base + jnp.int32(_SLAB))
        mi = m.astype(jnp.int32)
        offs = plsc.cumsum(mi) - 1 + carry
        offs = jnp.minimum(offs, jnp.int32(_CAP - 1))
        r_idx = lax.shift_right_logical(offs, jnp.int32(7))
        c_idx = lax.bitwise_and(offs, jnp.int32(127))
        plsc.store_scatter(ids_c, [r_idx, c_idx], idv, mask=m)
        plsc.store_scatter(i_c, [r_idx, c_idx], lane + it * jnp.int32(_L), mask=m)
        return carry + plsc.all_reduce_population_count(m)

    cntv = lax.fori_loop(jnp.int32(0), jnp.int32(_B // _L), scan_body, zero16)
    cnt = jnp.minimum(jnp.max(cntv), jnp.int32(_CAP))
    nch = (cnt + jnp.int32(_CH - 1)) // jnp.int32(_CH)
    gpr = _CH // _L

    @pl.when(cnt > 0)
    def _():
        def tag_body(g, _):
            rg = g // jnp.int32(gpr)
            cg = (g % jnp.int32(gpr)) * jnp.int32(_L)
            idv = ids_c[rg, pl.ds(cg, _L)] - base
            iv = i_c[rg, pl.ds(cg, _L)]
            flat = g * jnp.int32(_L) + lane
            valid = flat < cnt
            for l in range(_L):
                plsc.store_scatter(tag, [idv], iv, mask=valid & (lane == l))
            return 0

        lax.fori_loop(jnp.int32(0),
                      (cnt + jnp.int32(_L - 1)) // jnp.int32(_L), tag_body, 0)

        id0 = ids_c[0, pl.ds(0, _L)][0]
        lastrow = nch - jnp.int32(1)
        for u in range(gpr):
            flat = lastrow * jnp.int32(_CH) + jnp.int32(u * _L) + lane
            plsc.store_scatter(
                ids_c, [jnp.full((_L,), 1, jnp.int32) * lastrow,
                        jnp.full((_L,), u * _L, jnp.int32) + lane],
                jnp.full((_L,), 1, jnp.int32) * id0,
                mask=flat >= cnt)

    def chunk_body(c, _):
        row = ids_c.at[c]
        for u in range(_CH // _L):
            idv = row[pl.ds(u * _L, _L)]
            w = plsc.load_gather(tag, [idv - base])
            wrow[pl.ds(u * _L, _L)] = w
        g1 = pltpu.async_copy(newh_hbm.at[wrow], rowbuf, sem_g)
        g2 = pltpu.async_copy(ts_hbm.at[wrow], tsbuf, sem_g)
        g1.wait()
        g2.wait()
        s1 = pltpu.async_copy(rowbuf, mem_hbm.at[row], sem_s)
        s2 = pltpu.async_copy(tsbuf, lu_hbm.at[row], sem_s)
        s1.wait()
        s2.wait()
        return 0

    lax.fori_loop(jnp.int32(0), nch, chunk_body, 0)


_sc_scatter = functools.partial(
    pl.kernel,
    out_type=(),
    mesh=plsc.VectorSubcoreMesh(core_axis_name="c", subcore_axis_name="s"),
    compiler_params=_SC_PARAMS,
    scratch_types=[
        pltpu.VMEM((_B,), jnp.int32),
        pltpu.VMEM((_CAP // _CH, _CH), jnp.int32),
        pltpu.VMEM((_CAP // _CH, _CH), jnp.int32),
        pltpu.VMEM((_SLAB,), jnp.int32),
        pltpu.VMEM((_CH,), jnp.int32),
        pltpu.VMEM((_CH, _D_MEM), jnp.float32),
        pltpu.VMEM((_CH,), jnp.float32),
        pltpu.SemaphoreType.DMA,
        pltpu.SemaphoreType.DMA,
    ],
)(_scatter_body)


def kernel(unique_node_ids, unique_messages, timestamps, memory, last_update,
           W_ih, W_hh, b_ih, b_hh):
    ids32 = unique_node_ids.astype(jnp.int32)
    d = _D_MEM
    wr, wz, wn = W_ih[:d], W_ih[d:2 * d], W_ih[2 * d:]
    ur, uz, un = W_hh[:d], W_hh[d:2 * d], W_hh[2 * d:]
    br = (b_ih[:d] + b_hh[:d]).reshape(1, d)
    bz = (b_ih[d:2 * d] + b_hh[d:2 * d]).reshape(1, d)
    bi = b_ih[2 * d:].reshape(1, d)
    bh = b_hh[2 * d:].reshape(1, d)

    mem_ref = jax.new_ref(memory)
    lu_ref = jax.new_ref(last_update)
    h = _sc_gather(mem_ref, ids32)
    new_h = _tc_gru(unique_messages, h, wr, wz, wn, ur, uz, un, br, bz, bi, bh)
    _sc_scatter(mem_ref, lu_ref, ids32, new_h, timestamps)
    return mem_ref[...], lu_ref[...]

# --- scband reference (transcript-rebuilt; emitter-appended) ---
"""Pipeline reference for scband-sequence-memory-updater-23785528885482 (READ-ONLY COPY).

The authoritative reference and input builder live on the scoring server;
editing this copy changes nothing except your own understanding.
"""

import jax, jax.numpy as jnp
import numpy as np
jax.config.update('jax_enable_x64', True)

M = 1000000
D_MSG = 128
D_MEM = 64
B = 16384

def setup_inputs(seed: int = 0) -> dict:
    key = jax.random.key(seed)
    ks = jax.random.split(key, 8)
    memory = jax.random.normal(ks[0], (M, D_MEM), dtype=jnp.float32)
    last_update = jnp.zeros((M,), dtype=jnp.float32)
    unique_node_ids = jax.random.randint(ks[1], (B,), 0, M, dtype=jnp.int64)
    unique_messages = jax.random.normal(ks[2], (B, D_MSG), dtype=jnp.float32)
    timestamps = jax.random.uniform(ks[3], (B,), dtype=jnp.float32)
    k = 1.0 / np.sqrt(D_MEM)
    W_ih = jax.random.uniform(ks[4], (3 * D_MEM, D_MSG), minval=-k, maxval=k, dtype=jnp.float32)
    W_hh = jax.random.uniform(ks[5], (3 * D_MEM, D_MEM), minval=-k, maxval=k, dtype=jnp.float32)
    b_ih = jax.random.uniform(ks[6], (3 * D_MEM,), minval=-k, maxval=k, dtype=jnp.float32)
    b_hh = jax.random.uniform(ks[7], (3 * D_MEM,), minval=-k, maxval=k, dtype=jnp.float32)
    return {
        'unique_node_ids': unique_node_ids,
        'unique_messages': unique_messages,
        'timestamps': timestamps,
        'memory': memory,
        'last_update': last_update,
        'W_ih': W_ih,
        'W_hh': W_hh,
        'b_ih': b_ih,
        'b_hh': b_hh,
    }

def _gru_cell(x, h, W_ih, W_hh, b_ih, b_hh):
    gi = x @ W_ih.T + b_ih
    gh = h @ W_hh.T + b_hh
    i_r, i_z, i_n = jnp.split(gi, 3, axis=1)
    h_r, h_z, h_n = jnp.split(gh, 3, axis=1)
    r = jax.nn.sigmoid(i_r + h_r)
    z = jax.nn.sigmoid(i_z + h_z)
    n = jnp.tanh(i_n + r * h_n)
    return (1.0 - z) * n + z * h

def reference(unique_node_ids, unique_messages, timestamps, memory, last_update, W_ih, W_hh, b_ih, b_hh):
    # get_updated_memory: clone memory, gather rows, run GRU memory_updater, scatter back
    updated_memory = memory  # functional clone
    h = jnp.take(updated_memory, unique_node_ids, axis=0)
    new_h = _gru_cell(unique_messages, h, W_ih, W_hh, b_ih, b_hh)
    updated_memory = updated_memory.at[unique_node_ids].set(new_h)
    updated_last_update = last_update.at[unique_node_ids].set(timestamps)
    return (updated_memory, updated_last_update)

if __name__ == "__main__":
    import jax
    _d = setup_inputs()
    print(jax.jit(kernel)(*tuple(_d.values())))

</pallas_src>

<mosaic_0001>
#map = affine_map<(d0, d1) -> (0, 0)>
#map1 = affine_map<(d0, d1) -> (0)>
module attributes {stable_mosaic.version = 14 : i64} {
  func.func @new_body(%arg0: i32, %arg1: i32, %arg2: memref<1000000x64xf32, #tpu.memory_space<hbm>>, %arg3: memref<1000000xf32, #tpu.memory_space<hbm>>, %arg4: memref<16384xi32, #tpu.memory_space<hbm>>, %arg5: memref<16384x64xf32, #tpu.memory_space<hbm>>, %arg6: memref<16384xf32, #tpu.memory_space<hbm>>, %arg7: memref<1000000x64xf32, #tpu.memory_space<hbm>>, %arg8: memref<1000000xf32, #tpu.memory_space<hbm>>, %arg9: memref<16384xi32, #tpu.memory_space<vmem>>, %arg10: memref<16x128xi32, #tpu.memory_space<vmem>>, %arg11: memref<16x128xi32, #tpu.memory_space<vmem>>, %arg12: memref<31250xi32, #tpu.memory_space<vmem>>, %arg13: memref<128xi32, #tpu.memory_space<vmem>>, %arg14: memref<128x64xf32, #tpu.memory_space<vmem>>, %arg15: memref<128xf32, #tpu.memory_space<vmem>>, %arg16: memref<!tpu.dma_semaphore, #tpu.memory_space<semaphore_mem>>, %arg17: memref<!tpu.dma_semaphore, #tpu.memory_space<semaphore_mem>>) attributes {dimension_semantics = [#tpu.dimension_semantics<core_parallel>, #tpu.dimension_semantics<subcore_parallel>], iteration_bounds = array<i64: 2, 16>, scalar_prefetch = 0 : i64, scratch_operands = 9 : i64, tpu.core_type = #tpu.core_type<sc_vector_subcore>, window_params = [{transform_indices = #map}, {transform_indices = #map1}, {transform_indices = #map1}, {transform_indices = #map}, {transform_indices = #map1}, {transform_indices = #map}, {transform_indices = #map1}]} {
    %mul3A = arith.constant 16 : i32
    %mul3A_0 = arith.muli %arg0, %mul3A : i32
    %add3A = arith.addi %mul3A_0, %arg1 : i32
    %mul3A_1 = arith.constant 31250 : i32
    %mul3A_2 = arith.muli %add3A, %mul3A_1 : i32
    "tpu.region"() ({
      %run_scoped3A = tpu.sem_alloc : memref<!tpu.dma_semaphore, #tpu.memory_space<semaphore_mem>>
      tpu.enqueue_dma source(%arg4 : memref<16384xi32, #tpu.memory_space<hbm>>) target(%arg9 : memref<16384xi32, #tpu.memory_space<vmem>>) target_semaphore(%run_scoped3A : memref<!tpu.dma_semaphore, #tpu.memory_space<semaphore_mem>>)
      tpu.wait_dma2 semaphore(%run_scoped3A : memref<!tpu.dma_semaphore, #tpu.memory_space<semaphore_mem>>) src(%arg4 : memref<16384xi32, #tpu.memory_space<hbm>>) dst(%arg9 : memref<16384xi32, #tpu.memory_space<vmem>>)
      tpu.yield
    }) : () -> ()
    %iota3A = tpu.iota {dimensions = array<i32: 0>} : vector<16xi32>
    %broadcast_in_dim3A = arith.constant 0 : i32
    %broadcast_in_dim3A_3 = vector.broadcast %broadcast_in_dim3A : i32 to vector<16xi32>
    %while3A = arith.constant 0 : i32
    %while3A_4 = arith.constant 1024 : i32
    %while3A_5 = arith.subi %while3A_4, %while3A : i32
    %while3A_6 = arith.addi %while3A, %while3A_5 : i32
    %while3A_7 = arith.constant 1 : i32
    %while3A_8 = arith.divsi %while3A_5, %while3A_7 : i32
    %while3A_9 = arith.muli %while3A_8, %while3A_7 : i32
    %while3A_10 = arith.addi %while3A, %while3A_9 : i32
    %while3A_11 = arith.constant 1 : i32
    %while3A_12 = scf.for %while3A_55 = %while3A to %while3A_10 step %while3A_11 iter_args(%while3A_56 = %broadcast_in_dim3A_3) -> (vector<16xi32>)  : i32 {
      %mul3A_57 = arith.constant 16 : i32
      %mul3A_58 = arith.muli %while3A_55, %mul3A_57 : i32
      %get3A = arith.index_cast %mul3A_58 : i32 to index
      %get3A_59 = tpu.vector_load %arg9[%get3A] {strides = array<i32>} : memref<16384xi32, #tpu.memory_space<vmem>>, vector<16xi32>,
      %ge3A = vector.broadcast %mul3A_2 : i32 to vector<16xi32>
      %ge3A_60 = arith.cmpi sge, %get3A_59, %ge3A : vector<16xi32>
      %add3A_61 = arith.constant 31250 : i32
      %add3A_62 = arith.addi %mul3A_2, %add3A_61 : i32
      %lt3A = vector.broadcast %add3A_62 : i32 to vector<16xi32>
      %lt3A_63 = arith.cmpi slt, %get3A_59, %lt3A : vector<16xi32>
      %and3A_64 = arith.andi %ge3A_60, %lt3A_63 : vector<16xi1>
      %convert_element_type3A_65 = arith.extui %and3A_64 : vector<16xi1> to vector<16xi32>
      %broadcast_in_dim3A_66 = arith.constant true
      %broadcast_in_dim3A_67 = vector.broadcast %broadcast_in_dim3A_66 : i1 to vector<16xi1>
      %masked_cumsum3A = tpu.scan <sum>, %convert_element_type3A_65 masked %broadcast_in_dim3A_67 : vector<16xi32>, vector<16xi1> -> vector<16xi32>
      %sub3A_68 = arith.constant 1 : i32
      %sub3A_69 = vector.broadcast %sub3A_68 : i32 to vector<16xi32>
      %sub3A_70 = arith.subi %masked_cumsum3A, %sub3A_69 : vector<16xi32>
      %add3A_71 = arith.addi %sub3A_70, %while3A_56 : vector<16xi32>
      %min3A_72 = arith.constant 2047 : i32
      %min3A_73 = vector.broadcast %min3A_72 : i32 to vector<16xi32>
      %min3A_74 = arith.minsi %add3A_71, %min3A_73 : vector<16xi32>
      %shift_right_logical3A = arith.constant 7 : i32
      %shift_right_logical3A_75 = vector.broadcast %shift_right_logical3A : i32 to vector<16xi32>
      %shift_right_logical3A_76 = arith.shrui %min3A_74, %shift_right_logical3A_75 : vector<16xi32>
      %and3A_77 = arith.constant 127 : i32
      %and3A_78 = vector.broadcast %and3A_77 : i32 to vector<16xi32>
      %and3A_79 = arith.andi %min3A_74, %and3A_78 : vector<16xi32>
      tpu.vector_store_idx %arg10[%shift_right_logical3A_76, %and3A_79], %get3A_59 masked %and3A_64 : memref<16x128xi32, #tpu.memory_space<vmem>>[vector<16xi32>, vector<16xi32>], vector<16xi32>, vector<16xi1>
      %mul3A_80 = arith.constant 16 : i32
      %mul3A_81 = arith.muli %while3A_55, %mul3A_80 : i32
      %add3A_82 = vector.broadcast %mul3A_81 : i32 to vector<16xi32>
      %add3A_83 = arith.addi %iota3A, %add3A_82 : vector<16xi32>
      tpu.vector_store_idx %arg11[%shift_right_logical3A_76, %and3A_79], %add3A_83 masked %and3A_64 : memref<16x128xi32, #tpu.memory_space<vmem>>[vector<16xi32>, vector<16xi32>], vector<16xi32>, vector<16xi1>
      %all_reduce_population_count3A = tpu.all_reduce %and3A_64 {dim = 0 : i64, kind = #tpu.reduction_kind<sum>} : vector<16xi1> -> vector<16xi32>
      %add3A_84 = arith.addi %while3A_56, %all_reduce_population_count3A : vector<16xi32>
      scf.yield %add3A_84 : vector<16xi32>
    }
    %while3A_13 = arith.constant 1 : i32
    %while3A_14 = scf.for %while3A_55 = %while3A_10 to %while3A_6 step %while3A_13 iter_args(%while3A_56 = %while3A_12) -> (vector<16xi32>)  : i32 {
      %mul3A_57 = arith.constant 16 : i32
      %mul3A_58 = arith.muli %while3A_55, %mul3A_57 : i32
      %get3A = arith.index_cast %mul3A_58 : i32 to index
      %get3A_59 = tpu.vector_load %arg9[%get3A] {strides = array<i32>} : memref<16384xi32, #tpu.memory_space<vmem>>, vector<16xi32>,
      %ge3A = vector.broadcast %mul3A_2 : i32 to vector<16xi32>
      %ge3A_60 = arith.cmpi sge, %get3A_59, %ge3A : vector<16xi32>
      %add3A_61 = arith.constant 31250 : i32
      %add3A_62 = arith.addi %mul3A_2, %add3A_61 : i32
      %lt3A = vector.broadcast %add3A_62 : i32 to vector<16xi32>
      %lt3A_63 = arith.cmpi slt, %get3A_59, %lt3A : vector<16xi32>
      %and3A_64 = arith.andi %ge3A_60, %lt3A_63 : vector<16xi1>
      %convert_element_type3A_65 = arith.extui %and3A_64 : vector<16xi1> to vector<16xi32>
      %broadcast_in_dim3A_66 = arith.constant true
      %broadcast_in_dim3A_67 = vector.broadcast %broadcast_in_dim3A_66 : i1 to vector<16xi1>
      %masked_cumsum3A = tpu.scan <sum>, %convert_element_type3A_65 masked %broadcast_in_dim3A_67 : vector<16xi32>, vector<16xi1> -> vector<16xi32>
      %sub3A_68 = arith.constant 1 : i32
      %sub3A_69 = vector.broadcast %sub3A_68 : i32 to vector<16xi32>
      %sub3A_70 = arith.subi %masked_cumsum3A, %sub3A_69 : vector<16xi32>
      %add3A_71 = arith.addi %sub3A_70, %while3A_56 : vector<16xi32>
      %min3A_72 = arith.constant 2047 : i32
      %min3A_73 = vector.broadcast %min3A_72 : i32 to vector<16xi32>
      %min3A_74 = arith.minsi %add3A_71, %min3A_73 : vector<16xi32>
      %shift_right_logical3A = arith.constant 7 : i32
      %shift_right_logical3A_75 = vector.broadcast %shift_right_logical3A : i32 to vector<16xi32>
      %shift_right_logical3A_76 = arith.shrui %min3A_74, %shift_right_logical3A_75 : vector<16xi32>
      %and3A_77 = arith.constant 127 : i32
      %and3A_78 = vector.broadcast %and3A_77 : i32 to vector<16xi32>
      %and3A_79 = arith.andi %min3A_74, %and3A_78 : vector<16xi32>
      tpu.vector_store_idx %arg10[%shift_right_logical3A_76, %and3A_79], %get3A_59 masked %and3A_64 : memref<16x128xi32, #tpu.memory_space<vmem>>[vector<16xi32>, vector<16xi32>], vector<16xi32>, vector<16xi1>
      %mul3A_80 = arith.constant 16 : i32
      %mul3A_81 = arith.muli %while3A_55, %mul3A_80 : i32
      %add3A_82 = vector.broadcast %mul3A_81 : i32 to vector<16xi32>
      %add3A_83 = arith.addi %iota3A, %add3A_82 : vector<16xi32>
      tpu.vector_store_idx %arg11[%shift_right_logical3A_76, %and3A_79], %add3A_83 masked %and3A_64 : memref<16x128xi32, #tpu.memory_space<vmem>>[vector<16xi32>, vector<16xi32>], vector<16xi32>, vector<16xi1>
      %all_reduce_population_count3A = tpu.all_reduce %and3A_64 {dim = 0 : i64, kind = #tpu.reduction_kind<sum>} : vector<16xi1> -> vector<16xi32>
      %add3A_84 = arith.addi %while3A_56, %all_reduce_population_count3A : vector<16xi32>
      scf.yield %add3A_84 : vector<16xi32>
    }
    %reduce_max3A = arith.constant true
    %reduce_max3A_15 = vector.broadcast %reduce_max3A : i1 to vector<16xi1>
    %reduce_max3A_16 = arith.constant -2147483648 : i32
    %reduce_max3A_17 = vector.broadcast %reduce_max3A_16 : i32 to vector<16xi32>
    %reduce_max3A_18 = arith.xori %while3A_14, %reduce_max3A_17 : vector<16xi32>
    %reduce_max3A_19 = tpu.scan <max>, %reduce_max3A_18 masked %reduce_max3A_15 : vector<16xi32>, vector<16xi1> -> vector<16xi32>
    %reduce_max3A_20 = arith.xori %reduce_max3A_19, %reduce_max3A_17 : vector<16xi32>
    %reduce_max3A_21 = vector.extract %reduce_max3A_20[15] : i32 from vector<16xi32>
    %min3A = arith.constant 2048 : i32
    %min3A_22 = arith.minsi %reduce_max3A_21, %min3A : i32
    %add3A_23 = arith.constant 127 : i32
    %add3A_24 = arith.addi %min3A_22, %add3A_23 : i32
    %jit3A = arith.constant 128 : i32
    %div3A = arith.divsi %add3A_24, %jit3A : i32
    %sign3A = arith.constant 0 : i32
    %sign3A_25 = arith.cmpi sgt, %add3A_24, %sign3A : i32
    %sign3A_26 = arith.extui %sign3A_25 : i1 to i32
    %sign3A_27 = arith.constant 0 : i32
    %sign3A_28 = arith.cmpi slt, %add3A_24, %sign3A_27 : i32
    %sign3A_29 = arith.extui %sign3A_28 : i1 to i32
    %sign3A_30 = arith.subi %sign3A_26, %sign3A_29 : i32
    %sign3A_31 = arith.constant 0 : i32
    %sign3A_32 = arith.cmpi sgt, %jit3A, %sign3A_31 : i32
    %sign3A_33 = arith.extui %sign3A_32 : i1 to i32
    %sign3A_34 = arith.constant 0 : i32
    %sign3A_35 = arith.cmpi slt, %jit3A, %sign3A_34 : i32
    %sign3A_36 = arith.extui %sign3A_35 : i1 to i32
    %sign3A_37 = arith.subi %sign3A_33, %sign3A_36 : i32
    %ne3A = arith.cmpi ne, %sign3A_30, %sign3A_37 : i32
    %rem3A = arith.remsi %add3A_24, %jit3A : i32
    %ne3A_38 = arith.constant 0 : i32
    %ne3A_39 = arith.cmpi ne, %rem3A, %ne3A_38 : i32
    %and3A = arith.andi %ne3A, %ne3A_39 : i1
    %sub3A = arith.constant 1 : i32
    %sub3A_40 = arith.subi %div3A, %sub3A : i32
    %select_n3A = arith.select %and3A, %sub3A_40, %div3A : i32
    %gt3A = arith.constant 0 : i32
    %gt3A_41 = arith.cmpi sgt, %min3A_22, %gt3A : i32
    %convert_element_type3A = arith.extui %gt3A_41 : i1 to i32
    %cond3A = arith.constant 0 : i32
    %cond3A_42 = arith.cmpi ne, %convert_element_type3A, %cond3A : i32
    scf.if %cond3A_42 {
      %add3A_55 = arith.constant 15 : i32
      %add3A_56 = arith.addi %min3A_22, %add3A_55 : i32
      %jit3A_57 = arith.constant 16 : i32
      %div3A_58 = arith.divsi %add3A_56, %jit3A_57 : i32
      %sign3A_59 = arith.constant 0 : i32
      %sign3A_60 = arith.cmpi sgt, %add3A_56, %sign3A_59 : i32
      %sign3A_61 = arith.extui %sign3A_60 : i1 to i32
      %sign3A_62 = arith.constant 0 : i32
      %sign3A_63 = arith.cmpi slt, %add3A_56, %sign3A_62 : i32
      %sign3A_64 = arith.extui %sign3A_63 : i1 to i32
      %sign3A_65 = arith.subi %sign3A_61, %sign3A_64 : i32
      %sign3A_66 = arith.constant 0 : i32
      %sign3A_67 = arith.cmpi sgt, %jit3A_57, %sign3A_66 : i32
      %sign3A_68 = arith.extui %sign3A_67 : i1 to i32
      %sign3A_69 = arith.constant 0 : i32
      %sign3A_70 = arith.cmpi slt, %jit3A_57, %sign3A_69 : i32
      %sign3A_71 = arith.extui %sign3A_70 : i1 to i32
      %sign3A_72 = arith.subi %sign3A_68, %sign3A_71 : i32
      %ne3A_73 = arith.cmpi ne, %sign3A_65, %sign3A_72 : i32
      %rem3A_74 = arith.remsi %add3A_56, %jit3A_57 : i32
      %ne3A_75 = arith.constant 0 : i32
      %ne3A_76 = arith.cmpi ne, %rem3A_74, %ne3A_75 : i32
      %and3A_77 = arith.andi %ne3A_73, %ne3A_76 : i1
      %sub3A_78 = arith.constant 1 : i32
      %sub3A_79 = arith.subi %div3A_58, %sub3A_78 : i32
      %select_n3A_80 = arith.select %and3A_77, %sub3A_79, %div3A_58 : i32
      %while3A_81 = arith.constant 0 : i32
      %while3A_82 = arith.constant 0 : i64
      %while3A_83 = arith.subi %select_n3A_80, %while3A_81 : i32
      %while3A_84 = arith.addi %while3A_81, %while3A_83 : i32
      %while3A_85 = arith.constant 1 : i32
      %while3A_86 = arith.divsi %while3A_83, %while3A_85 : i32
      %while3A_87 = arith.muli %while3A_86, %while3A_85 : i32
      %while3A_88 = arith.addi %while3A_81, %while3A_87 : i32
      %while3A_89 = arith.constant 1 : i32
      %while3A_90 = scf.for %while3A_249 = %while3A_81 to %while3A_88 step %while3A_89 iter_args(%while3A_250 = %while3A_82) -> (i64)  : i32 {
        %jit3A_251 = arith.constant 8 : i32
        %div3A_252 = arith.divsi %while3A_249, %jit3A_251 : i32
        %sign3A_253 = arith.constant 0 : i32
        %sign3A_254 = arith.cmpi sgt, %while3A_249, %sign3A_253 : i32
        %sign3A_255 = arith.extui %sign3A_254 : i1 to i32
        %sign3A_256 = arith.constant 0 : i32
        %sign3A_257 = arith.cmpi slt, %while3A_249, %sign3A_256 : i32
        %sign3A_258 = arith.extui %sign3A_257 : i1 to i32
        %sign3A_259 = arith.subi %sign3A_255, %sign3A_258 : i32
        %sign3A_260 = arith.constant 0 : i32
        %sign3A_261 = arith.cmpi sgt, %jit3A_251, %sign3A_260 : i32
        %sign3A_262 = arith.extui %sign3A_261 : i1 to i32
        %sign3A_263 = arith.constant 0 : i32
        %sign3A_264 = arith.cmpi slt, %jit3A_251, %sign3A_263 : i32
        %sign3A_265 = arith.extui %sign3A_264 : i1 to i32
        %sign3A_266 = arith.subi %sign3A_262, %sign3A_265 : i32
        %ne3A_267 = arith.cmpi ne, %sign3A_259, %sign3A_266 : i32
        %rem3A_268 = arith.remsi %while3A_249, %jit3A_251 : i32
        %ne3A_269 = arith.constant 0 : i32
        %ne3A_270 = arith.cmpi ne, %rem3A_268, %ne3A_269 : i32
        %and3A_271 = arith.andi %ne3A_267, %ne3A_270 : i1
        %sub3A_272 = arith.constant 1 : i32
        %sub3A_273 = arith.subi %div3A_252, %sub3A_272 : i32
        %select_n3A_274 = arith.select %and3A_271, %sub3A_273, %div3A_252 : i32
        %jit3A_275 = arith.constant 8 : i32
        %eq3A = arith.constant 0 : i32
        %eq3A_276 = arith.cmpi eq, %jit3A_275, %eq3A : i32
        %jit3A_277 = arith.constant 1 : i32
        %select_n3A_278 = arith.select %eq3A_276, %jit3A_277, %jit3A_275 : i32
        %rem3A_279 = arith.remsi %while3A_249, %select_n3A_278 : i32
        %ne3A_280 = arith.constant 0 : i32
        %ne3A_281 = arith.cmpi ne, %rem3A_279, %ne3A_280 : i32
        %lt3A = arith.constant 0 : i32
        %lt3A_282 = arith.cmpi slt, %rem3A_279, %lt3A : i32
        %lt3A_283 = arith.constant 0 : i32
        %lt3A_284 = arith.cmpi slt, %select_n3A_278, %lt3A_283 : i32
        %ne3A_285 = arith.xori %lt3A_282, %lt3A_284 : i1
        %and3A_286 = arith.andi %ne3A_285, %ne3A_281 : i1
        %add3A_287 = arith.addi %rem3A_279, %select_n3A_278 : i32
        %select_n3A_288 = arith.select %and3A_286, %add3A_287, %rem3A_279 : i32
        %mul3A_289 = arith.constant 16 : i32
        %mul3A_290 = arith.muli %select_n3A_288, %mul3A_289 : i32
        %get3A_291 = arith.index_cast %select_n3A_274 : i32 to index
        %get3A_292 = arith.index_cast %mul3A_290 : i32 to index
        %get3A_293 = tpu.vector_load %arg10[%get3A_291, %get3A_292] {strides = array<i32>} : memref<16x128xi32, #tpu.memory_space<vmem>>, vector<16xi32>,
        %sub3A_294 = vector.broadcast %mul3A_2 : i32 to vector<16xi32>
        %sub3A_295 = arith.subi %get3A_293, %sub3A_294 : vector<16xi32>
        %get3A_296 = arith.index_cast %select_n3A_274 : i32 to index
        %get3A_297 = arith.index_cast %mul3A_290 : i32 to index
        %get3A_298 = tpu.vector_load %arg11[%get3A_296, %get3A_297] {strides = array<i32>} : memref<16x128xi32, #tpu.memory_space<vmem>>, vector<16xi32>,
        %mul3A_299 = arith.constant 16 : i32
        %mul3A_300 = arith.muli %while3A_249, %mul3A_299 : i32
        %add3A_301 = vector.broadcast %mul3A_300 : i32 to vector<16xi32>
        %add3A_302 = arith.addi %add3A_301, %iota3A : vector<16xi32>
        %lt3A_303 = vector.broadcast %min3A_22 : i32 to vector<16xi32>
        %lt3A_304 = arith.cmpi slt, %add3A_302, %lt3A_303 : vector<16xi32>
        %eq3A_305 = arith.constant 0 : i32
        %eq3A_306 = vector.broadcast %eq3A_305 : i32 to vector<16xi32>
        %eq3A_307 = arith.cmpi eq, %iota3A, %eq3A_306 : vector<16xi32>
        %and3A_308 = arith.andi %lt3A_304, %eq3A_307 : vector<16xi1>
        tpu.vector_store_idx %arg12[%sub3A_295], %get3A_298 masked %and3A_308 : memref<31250xi32, #tpu.memory_space<vmem>>[vector<16xi32>], vector<16xi32>, vector<16xi1>
        %eq3A_309 = arith.constant 1 : i32
        %eq3A_310 = vector.broadcast %eq3A_309 : i32 to vector<16xi32>
        %eq3A_311 = arith.cmpi eq, %iota3A, %eq3A_310 : vector<16xi32>
        %and3A_312 = arith.andi %lt3A_304, %eq3A_311 : vector<16xi1>
        tpu.vector_store_idx %arg12[%sub3A_295], %get3A_298 masked %and3A_312 : memref<31250xi32, #tpu.memory_space<vmem>>[vector<16xi32>], vector<16xi32>, vector<16xi1>
        %eq3A_313 = arith.constant 2 : i32
        %eq3A_314 = vector.broadcast %eq3A_313 : i32 to vector<16xi32>
        %eq3A_315 = arith.cmpi eq, %iota3A, %eq3A_314 : vector<16xi32>
        %and3A_316 = arith.andi %lt3A_304, %eq3A_315 : vector<16xi1>
        tpu.vector_store_idx %arg12[%sub3A_295], %get3A_298 masked %and3A_316 : memref<31250xi32, #tpu.memory_space<vmem>>[vector<16xi32>], vector<16xi32>, vector<16xi1>
        %eq3A_317 = arith.constant 3 : i32
        %eq3A_318 = vector.broadcast %eq3A_317 : i32 to vector<16xi32>
        %eq3A_319 = arith.cmpi eq, %iota3A, %eq3A_318 : vector<16xi32>
        %and3A_320 = arith.andi %lt3A_304, %eq3A_319 : vector<16xi1>
        tpu.vector_store_idx %arg12[%sub3A_295], %get3A_298 masked %and3A_320 : memref<31250xi32, #tpu.memory_space<vmem>>[vector<16xi32>], vector<16xi32>, vector<16xi1>
        %eq3A_321 = arith.constant 4 : i32
        %eq3A_322 = vector.broadcast %eq3A_321 : i32 to vector<16xi32>
        %eq3A_323 = arith.cmpi eq, %iota3A, %eq3A_322 : vector<16xi32>
        %and3A_324 = arith.andi %lt3A_304, %eq3A_323 : vector<16xi1>
        tpu.vector_store_idx %arg12[%sub3A_295], %get3A_298 masked %and3A_324 : memref<31250xi32, #tpu.memory_space<vmem>>[vector<16xi32>], vector<16xi32>, vector<16xi1>
        %eq3A_325 = arith.constant 5 : i32
        %eq3A_326 = vector.broadcast %eq3A_325 : i32 to vector<16xi32>
        %eq3A_327 = arith.cmpi eq, %iota3A, %eq3A_326 : vector<16xi32>
        %and3A_328 = arith.andi %lt3A_304, %eq3A_327 : vector<16xi1>
        tpu.vector_store_idx %arg12[%sub3A_295], %get3A_298 masked %and3A_328 : memref<31250xi32, #tpu.memory_space<vmem>>[vector<16xi32>], vector<16xi32>, vector<16xi1>
        %eq3A_329 = arith.constant 6 : i32
        %eq3A_330 = vector.broadcast %eq3A_329 : i32 to vector<16xi32>
        %eq3A_331 = arith.cmpi eq, %iota3A, %eq3A_330 : vector<16xi32>
        %and3A_332 = arith.andi %lt3A_304, %eq3A_331 : vector<16xi1>
        tpu.vector_store_idx %arg12[%sub3A_295], %get3A_298 masked %and3A_332 : memref<31250xi32, #tpu.memory_space<vmem>>[vector<16xi32>], vector<16xi32>, vector<16xi1>
        %eq3A_333 = arith.constant 7 : i32
        %eq3A_334 = vector.broadcast %eq3A_333 : i32 to vector<16xi32>
        %eq3A_335 = arith.cmpi eq, %iota3A, %eq3A_334 : vector<16xi32>
        %and3A_336 = arith.andi %lt3A_304, %eq3A_335 : vector<16xi1>
        tpu.vector_store_idx %arg12[%sub3A_295], %get3A_298 masked %and3A_336 : memref<31250xi32, #tpu.memory_space<vmem>>[vector<16xi32>], vector<16xi32>, vector<16xi1>
        %eq3A_337 = arith.constant 8 : i32
        %eq3A_338 = vector.broadcast %eq3A_337 : i32 to vector<16xi32>
        %eq3A_339 = arith.cmpi eq, %iota3A, %eq3A_338 : vector<16xi32>
        %and3A_340 = arith.andi %lt3A_304, %eq3A_339 : vector<16xi1>
        tpu.vector_store_idx %arg12[%sub3A_295], %get3A_298 masked %and3A_340 : memref<31250xi32, #tpu.memory_space<vmem>>[vector<16xi32>], vector<16xi32>, vector<16xi1>
        %eq3A_341 = arith.constant 9 : i32
        %eq3A_342 = vector.broadcast %eq3A_341 : i32 to vector<16xi32>
        %eq3A_343 = arith.cmpi eq, %iota3A, %eq3A_342 : vector<16xi32>
        %and3A_344 = arith.andi %lt3A_304, %eq3A_343 : vector<16xi1>
        tpu.vector_store_idx %arg12[%sub3A_295], %get3A_298 masked %and3A_344 : memref<31250xi32, #tpu.memory_space<vmem>>[vector<16xi32>], vector<16xi32>, vector<16xi1>
        %eq3A_345 = arith.constant 10 : i32
        %eq3A_346 = vector.broadcast %eq3A_345 : i32 to vector<16xi32>
        %eq3A_347 = arith.cmpi eq, %iota3A, %eq3A_346 : vector<16xi32>
        %and3A_348 = arith.andi %lt3A_304, %eq3A_347 : vector<16xi1>
        tpu.vector_store_idx %arg12[%sub3A_295], %get3A_298 masked %and3A_348 : memref<31250xi32, #tpu.memory_space<vmem>>[vector<16xi32>], vector<16xi32>, vector<16xi1>
        %eq3A_349 = arith.constant 11 : i32
        %eq3A_350 = vector.broadcast %eq3A_349 : i32 to vector<16xi32>
        %eq3A_351 = arith.cmpi eq, %iota3A, %eq3A_350 : vector<16xi32>
        %and3A_352 = arith.andi %lt3A_304, %eq3A_351 : vector<16xi1>
        tpu.vector_store_idx %arg12[%sub3A_295], %get3A_298 masked %and3A_352 : memref<31250xi32, #tpu.memory_space<vmem>>[vector<16xi32>], vector<16xi32>, vector<16xi1>
        %eq3A_353 = arith.constant 12 : i32
        %eq3A_354 = vector.broadcast %eq3A_353 : i32 to vector<16xi32>
        %eq3A_355 = arith.cmpi eq, %iota3A, %eq3A_354 : vector<16xi32>
        %and3A_356 = arith.andi %lt3A_304, %eq3A_355 : vector<16xi1>
        tpu.vector_store_idx %arg12[%sub3A_295], %get3A_298 masked %and3A_356 : memref<31250xi32, #tpu.memory_space<vmem>>[vector<16xi32>], vector<16xi32>, vector<16xi1>
        %eq3A_357 = arith.constant 13 : i32
        %eq3A_358 = vector.broadcast %eq3A_357 : i32 to vector<16xi32>
        %eq3A_359 = arith.cmpi eq, %iota3A, %eq3A_358 : vector<16xi32>
        %and3A_360 = arith.andi %lt3A_304, %eq3A_359 : vector<16xi1>
        tpu.vector_store_idx %arg12[%sub3A_295], %get3A_298 masked %and3A_360 : memref<31250xi32, #tpu.memory_space<vmem>>[vector<16xi32>], vector<16xi32>, vector<16xi1>
        %eq3A_361 = arith.constant 14 : i32
        %eq3A_362 = vector.broadcast %eq3A_361 : i32 to vector<16xi32>
        %eq3A_363 = arith.cmpi eq, %iota3A, %eq3A_362 : vector<16xi32>
        %and3A_364 = arith.andi %lt3A_304, %eq3A_363 : vector<16xi1>
        tpu.vector_store_idx %arg12[%sub3A_295], %get3A_298 masked %and3A_364 : memref<31250xi32, #tpu.memory_space<vmem>>[vector<16xi32>], vector<16xi32>, vector<16xi1>
        %eq3A_365 = arith.constant 15 : i32
        %eq3A_366 = vector.broadcast %eq3A_365 : i32 to vector<16xi32>
        %eq3A_367 = arith.cmpi eq, %iota3A, %eq3A_366 : vector<16xi32>
        %and3A_368 = arith.andi %lt3A_304, %eq3A_367 : vector<16xi1>
        tpu.vector_store_idx %arg12[%sub3A_295], %get3A_298 masked %and3A_368 : memref<31250xi32, #tpu.memory_space<vmem>>[vector<16xi32>], vector<16xi32>, vector<16xi1>
        %while3A_369 = arith.constant 0 : i64
        scf.yield %while3A_369 : i64
      }
      %while3A_91 = arith.constant 1 : i32
      %while3A_92 = scf.for %while3A_249 = %while3A_88 to %while3A_84 step %while3A_91 iter_args(%while3A_250 = %while3A_90) -> (i64)  : i32 {
        %jit3A_251 = arith.constant 8 : i32
        %div3A_252 = arith.divsi %while3A_249, %jit3A_251 : i32
        %sign3A_253 = arith.constant 0 : i32
        %sign3A_254 = arith.cmpi sgt, %while3A_249, %sign3A_253 : i32
        %sign3A_255 = arith.extui %sign3A_254 : i1 to i32
        %sign3A_256 = arith.constant 0 : i32
        %sign3A_257 = arith.cmpi slt, %while3A_249, %sign3A_256 : i32
        %sign3A_258 = arith.extui %sign3A_257 : i1 to i32
        %sign3A_259 = arith.subi %sign3A_255, %sign3A_258 : i32
        %sign3A_260 = arith.constant 0 : i32
        %sign3A_261 = arith.cmpi sgt, %jit3A_251, %sign3A_260 : i32
        %sign3A_262 = arith.extui %sign3A_261 : i1 to i32
        %sign3A_263 = arith.constant 0 : i32
        %sign3A_264 = arith.cmpi slt, %jit3A_251, %sign3A_263 : i32
        %sign3A_265 = arith.extui %sign3A_264 : i1 to i32
        %sign3A_266 = arith.subi %sign3A_262, %sign3A_265 : i32
        %ne3A_267 = arith.cmpi ne, %sign3A_259, %sign3A_266 : i32
        %rem3A_268 = arith.remsi %while3A_249, %jit3A_251 : i32
        %ne3A_269 = arith.constant 0 : i32
        %ne3A_270 = arith.cmpi ne, %rem3A_268, %ne3A_269 : i32
        %and3A_271 = arith.andi %ne3A_267, %ne3A_270 : i1
        %sub3A_272 = arith.constant 1 : i32
        %sub3A_273 = arith.subi %div3A_252, %sub3A_272 : i32
        %select_n3A_274 = arith.select %and3A_271, %sub3A_273, %div3A_252 : i32
        %jit3A_275 = arith.constant 8 : i32
        %eq3A = arith.constant 0 : i32
        %eq3A_276 = arith.cmpi eq, %jit3A_275, %eq3A : i32
        %jit3A_277 = arith.constant 1 : i32
        %select_n3A_278 = arith.select %eq3A_276, %jit3A_277, %jit3A_275 : i32
        %rem3A_279 = arith.remsi %while3A_249, %select_n3A_278 : i32
        %ne3A_280 = arith.constant 0 : i32
        %ne3A_281 = arith.cmpi ne, %rem3A_279, %ne3A_280 : i32
        %lt3A = arith.constant 0 : i32
        %lt3A_282 = arith.cmpi slt, %rem3A_279, %lt3A : i32
        %lt3A_283 = arith.constant 0 : i32
        %lt3A_284 = arith.cmpi slt, %select_n3A_278, %lt3A_283 : i32
        %ne3A_285 = arith.xori %lt3A_282, %lt3A_284 : i1
        %and3A_286 = arith.andi %ne3A_285, %ne3A_281 : i1
        %add3A_287 = arith.addi %rem3A_279, %select_n3A_278 : i32
        %select_n3A_288 = arith.select %and3A_286, %add3A_287, %rem3A_279 : i32
        %mul3A_289 = arith.constant 16 : i32
        %mul3A_290 = arith.muli %select_n3A_288, %mul3A_289 : i32
        %get3A_291 = arith.index_cast %select_n3A_274 : i32 to index
        %get3A_292 = arith.index_cast %mul3A_290 : i32 to index
        %get3A_293 = tpu.vector_load %arg10[%get3A_291, %get3A_292] {strides = array<i32>} : memref<16x128xi32, #tpu.memory_space<vmem>>, vector<16xi32>,
        %sub3A_294 = vector.broadcast %mul3A_2 : i32 to vector<16xi32>
        %sub3A_295 = arith.subi %get3A_293, %sub3A_294 : vector<16xi32>
        %get3A_296 = arith.index_cast %select_n3A_274 : i32 to index
        %get3A_297 = arith.index_cast %mul3A_290 : i32 to index
        %get3A_298 = tpu.vector_load %arg11[%get3A_296, %get3A_297] {strides = array<i32>} : memref<16x128xi32, #tpu.memory_space<vmem>>, vector<16xi32>,
        %mul3A_299 = arith.constant 16 : i32
        %mul3A_300 = arith.muli %while3A_249, %mul3A_299 : i32
        %add3A_301 = vector.broadcast %mul3A_300 : i32 to vector<16xi32>
        %add3A_302 = arith.addi %add3A_301, %iota3A : vector<16xi32>
        %lt3A_303 = vector.broadcast %min3A_22 : i32 to vector<16xi32>
        %lt3A_304 = arith.cmpi slt, %add3A_302, %lt3A_303 : vector<16xi32>
        %eq3A_305 = arith.constant 0 : i32
        %eq3A_306 = vector.broadcast %eq3A_305 : i32 to vector<16xi32>
        %eq3A_307 = arith.cmpi eq, %iota3A, %eq3A_306 : vector<16xi32>
        %and3A_308 = arith.andi %lt3A_304, %eq3A_307 : vector<16xi1>
        tpu.vector_store_idx %arg12[%sub3A_295], %get3A_298 masked %and3A_308 : memref<31250xi32, #tpu.memory_space<vmem>>[vector<16xi32>], vector<16xi32>, vector<16xi1>
        %eq3A_309 = arith.constant 1 : i32
        %eq3A_310 = vector.broadcast %eq3A_309 : i32 to vector<16xi32>
        %eq3A_311 = arith.cmpi eq, %iota3A, %eq3A_310 : vector<16xi32>
        %and3A_312 = arith.andi %lt3A_304, %eq3A_311 : vector<16xi1>
        tpu.vector_store_idx %arg12[%sub3A_295], %get3A_298 masked %and3A_312 : memref<31250xi32, #tpu.memory_space<vmem>>[vector<16xi32>], vector<16xi32>, vector<16xi1>
        %eq3A_313 = arith.constant 2 : i32
        %eq3A_314 = vector.broadcast %eq3A_313 : i32 to vector<16xi32>
        %eq3A_315 = arith.cmpi eq, %iota3A, %eq3A_314 : vector<16xi32>
        %and3A_316 = arith.andi %lt3A_304, %eq3A_315 : vector<16xi1>
        tpu.vector_store_idx %arg12[%sub3A_295], %get3A_298 masked %and3A_316 : memref<31250xi32, #tpu.memory_space<vmem>>[vector<16xi32>], vector<16xi32>, vector<16xi1>
        %eq3A_317 = arith.constant 3 : i32
        %eq3A_318 = vector.broadcast %eq3A_317 : i32 to vector<16xi32>
        %eq3A_319 = arith.cmpi eq, %iota3A, %eq3A_318 : vector<16xi32>
        %and3A_320 = arith.andi %lt3A_304, %eq3A_319 : vector<16xi1>
        tpu.vector_store_idx %arg12[%sub3A_295], %get3A_298 masked %and3A_320 : memref<31250xi32, #tpu.memory_space<vmem>>[vector<16xi32>], vector<16xi32>, vector<16xi1>
        %eq3A_321 = arith.constant 4 : i32
        %eq3A_322 = vector.broadcast %eq3A_321 : i32 to vector<16xi32>
        %eq3A_323 = arith.cmpi eq, %iota3A, %eq3A_322 : vector<16xi32>
        %and3A_324 = arith.andi %lt3A_304, %eq3A_323 : vector<16xi1>
        tpu.vector_store_idx %arg12[%sub3A_295], %get3A_298 masked %and3A_324 : memref<31250xi32, #tpu.memory_space<vmem>>[vector<16xi32>], vector<16xi32>, vector<16xi1>
        %eq3A_325 = arith.constant 5 : i32
        %eq3A_326 = vector.broadcast %eq3A_325 : i32 to vector<16xi32>
        %eq3A_327 = arith.cmpi eq, %iota3A, %eq3A_326 : vector<16xi32>
        %and3A_328 = arith.andi %lt3A_304, %eq3A_327 : vector<16xi1>
        tpu.vector_store_idx %arg12[%sub3A_295], %get3A_298 masked %and3A_328 : memref<31250xi32, #tpu.memory_space<vmem>>[vector<16xi32>], vector<16xi32>, vector<16xi1>
        %eq3A_329 = arith.constant 6 : i32
        %eq3A_330 = vector.broadcast %eq3A_329 : i32 to vector<16xi32>
        %eq3A_331 = arith.cmpi eq, %iota3A, %eq3A_330 : vector<16xi32>
        %and3A_332 = arith.andi %lt3A_304, %eq3A_331 : vector<16xi1>
        tpu.vector_store_idx %arg12[%sub3A_295], %get3A_298 masked %and3A_332 : memref<31250xi32, #tpu.memory_space<vmem>>[vector<16xi32>], vector<16xi32>, vector<16xi1>
        %eq3A_333 = arith.constant 7 : i32
        %eq3A_334 = vector.broadcast %eq3A_333 : i32 to vector<16xi32>
        %eq3A_335 = arith.cmpi eq, %iota3A, %eq3A_334 : vector<16xi32>
        %and3A_336 = arith.andi %lt3A_304, %eq3A_335 : vector<16xi1>
        tpu.vector_store_idx %arg12[%sub3A_295], %get3A_298 masked %and3A_336 : memref<31250xi32, #tpu.memory_space<vmem>>[vector<16xi32>], vector<16xi32>, vector<16xi1>
        %eq3A_337 = arith.constant 8 : i32
        %eq3A_338 = vector.broadcast %eq3A_337 : i32 to vector<16xi32>
        %eq3A_339 = arith.cmpi eq, %iota3A, %eq3A_338 : vector<16xi32>
        %and3A_340 = arith.andi %lt3A_304, %eq3A_339 : vector<16xi1>
        tpu.vector_store_idx %arg12[%sub3A_295], %get3A_298 masked %and3A_340 : memref<31250xi32, #tpu.memory_space<vmem>>[vector<16xi32>], vector<16xi32>, vector<16xi1>
        %eq3A_341 = arith.constant 9 : i32
        %eq3A_342 = vector.broadcast %eq3A_341 : i32 to vector<16xi32>
        %eq3A_343 = arith.cmpi eq, %iota3A, %eq3A_342 : vector<16xi32>
        %and3A_344 = arith.andi %lt3A_304, %eq3A_343 : vector<16xi1>
        tpu.vector_store_idx %arg12[%sub3A_295], %get3A_298 masked %and3A_344 : memref<31250xi32, #tpu.memory_space<vmem>>[vector<16xi32>], vector<16xi32>, vector<16xi1>
        %eq3A_345 = arith.constant 10 : i32
        %eq3A_346 = vector.broadcast %eq3A_345 : i32 to vector<16xi32>
        %eq3A_347 = arith.cmpi eq, %iota3A, %eq3A_346 : vector<16xi32>
        %and3A_348 = arith.andi %lt3A_304, %eq3A_347 : vector<16xi1>
        tpu.vector_store_idx %arg12[%sub3A_295], %get3A_298 masked %and3A_348 : memref<31250xi32, #tpu.memory_space<vmem>>[vector<16xi32>], vector<16xi32>, vector<16xi1>
        %eq3A_349 = arith.constant 11 : i32
        %eq3A_350 = vector.broadcast %eq3A_349 : i32 to vector<16xi32>
        %eq3A_351 = arith.cmpi eq, %iota3A, %eq3A_350 : vector<16xi32>
        %and3A_352 = arith.andi %lt3A_304, %eq3A_351 : vector<16xi1>
        tpu.vector_store_idx %arg12[%sub3A_295], %get3A_298 masked %and3A_352 : memref<31250xi32, #tpu.memory_space<vmem>>[vector<16xi32>], vector<16xi32>, vector<16xi1>
        %eq3A_353 = arith.constant 12 : i32
        %eq3A_354 = vector.broadcast %eq3A_353 : i32 to vector<16xi32>
        %eq3A_355 = arith.cmpi eq, %iota3A, %eq3A_354 : vector<16xi32>
        %and3A_356 = arith.andi %lt3A_304, %eq3A_355 : vector<16xi1>
        tpu.vector_store_idx %arg12[%sub3A_295], %get3A_298 masked %and3A_356 : memref<31250xi32, #tpu.memory_space<vmem>>[vector<16xi32>], vector<16xi32>, vector<16xi1>
        %eq3A_357 = arith.constant 13 : i32
        %eq3A_358 = vector.broadcast %eq3A_357 : i32 to vector<16xi32>
        %eq3A_359 = arith.cmpi eq, %iota3A, %eq3A_358 : vector<16xi32>
        %and3A_360 = arith.andi %lt3A_304, %eq3A_359 : vector<16xi1>
        tpu.vector_store_idx %arg12[%sub3A_295], %get3A_298 masked %and3A_360 : memref<31250xi32, #tpu.memory_space<vmem>>[vector<16xi32>], vector<16xi32>, vector<16xi1>
        %eq3A_361 = arith.constant 14 : i32
        %eq3A_362 = vector.broadcast %eq3A_361 : i32 to vector<16xi32>
        %eq3A_363 = arith.cmpi eq, %iota3A, %eq3A_362 : vector<16xi32>
        %and3A_364 = arith.andi %lt3A_304, %eq3A_363 : vector<16xi1>
        tpu.vector_store_idx %arg12[%sub3A_295], %get3A_298 masked %and3A_364 : memref<31250xi32, #tpu.memory_space<vmem>>[vector<16xi32>], vector<16xi32>, vector<16xi1>
        %eq3A_365 = arith.constant 15 : i32
        %eq3A_366 = vector.broadcast %eq3A_365 : i32 to vector<16xi32>
        %eq3A_367 = arith.cmpi eq, %iota3A, %eq3A_366 : vector<16xi32>
        %and3A_368 = arith.andi %lt3A_304, %eq3A_367 : vector<16xi1>
        tpu.vector_store_idx %arg12[%sub3A_295], %get3A_298 masked %and3A_368 : memref<31250xi32, #tpu.memory_space<vmem>>[vector<16xi32>], vector<16xi32>, vector<16xi1>
        %while3A_369 = arith.constant 0 : i64
        scf.yield %while3A_369 : i64
      }
      %get3A = arith.constant 0 : i64
      %get3A_93 = arith.index_cast %get3A : i64 to index
      %get3A_94 = arith.constant 0 : index
      %get3A_95 = tpu.vector_load %arg10[%get3A_93, %get3A_94] {strides = array<i32>} : memref<16x128xi32, #tpu.memory_space<vmem>>, vector<16xi32>,
      %slice3A = vector.extract_strided_slice %get3A_95 {offsets = [0], sizes = [1], strides = [1]} : vector<16xi32> to vector<1xi32>
      %squeeze3A = vector.extract %slice3A[0] : i32 from vector<1xi32>
      %sub3A_96 = arith.constant 1 : i32
      %sub3A_97 = arith.subi %select_n3A, %sub3A_96 : i32
      %mul3A_98 = arith.constant 128 : i32
      %mul3A_99 = arith.muli %sub3A_97, %mul3A_98 : i32
      %add3A_100 = arith.constant 0 : i32
      %add3A_101 = arith.addi %mul3A_99, %add3A_100 : i32
      %add3A_102 = vector.broadcast %add3A_101 : i32 to vector<16xi32>
      %add3A_103 = arith.addi %add3A_102, %iota3A : vector<16xi32>
      %broadcast_in_dim3A_104 = arith.constant 1 : i32
      %broadcast_in_dim3A_105 = vector.broadcast %broadcast_in_dim3A_104 : i32 to vector<16xi32>
      %mul3A_106 = vector.broadcast %sub3A_97 : i32 to vector<16xi32>
      %mul3A_107 = arith.muli %broadcast_in_dim3A_105, %mul3A_106 : vector<16xi32>
      %broadcast_in_dim3A_108 = arith.constant 0 : i32
      %broadcast_in_dim3A_109 = vector.broadcast %broadcast_in_dim3A_108 : i32 to vector<16xi32>
      %add3A_110 = arith.addi %broadcast_in_dim3A_109, %iota3A : vector<16xi32>
      %broadcast_in_dim3A_111 = arith.constant 1 : i32
      %broadcast_in_dim3A_112 = vector.broadcast %broadcast_in_dim3A_111 : i32 to vector<16xi32>
      %mul3A_113 = vector.broadcast %squeeze3A : i32 to vector<16xi32>
      %mul3A_114 = arith.muli %broadcast_in_dim3A_112, %mul3A_113 : vector<16xi32>
      %ge3A = vector.broadcast %min3A_22 : i32 to vector<16xi32>
      %ge3A_115 = arith.cmpi sge, %add3A_103, %ge3A : vector<16xi32>
      tpu.vector_store_idx %arg10[%mul3A_107, %add3A_110], %mul3A_114 masked %ge3A_115 : memref<16x128xi32, #tpu.memory_space<vmem>>[vector<16xi32>, vector<16xi32>], vector<16xi32>, vector<16xi1>
      %mul3A_116 = arith.constant 128 : i32
      %mul3A_117 = arith.muli %sub3A_97, %mul3A_116 : i32
      %add3A_118 = arith.constant 16 : i32
      %add3A_119 = arith.addi %mul3A_117, %add3A_118 : i32
      %add3A_120 = vector.broadcast %add3A_119 : i32 to vector<16xi32>
      %add3A_121 = arith.addi %add3A_120, %iota3A : vector<16xi32>
      %broadcast_in_dim3A_122 = arith.constant 1 : i32
      %broadcast_in_dim3A_123 = vector.broadcast %broadcast_in_dim3A_122 : i32 to vector<16xi32>
      %mul3A_124 = vector.broadcast %sub3A_97 : i32 to vector<16xi32>
      %mul3A_125 = arith.muli %broadcast_in_dim3A_123, %mul3A_124 : vector<16xi32>
      %broadcast_in_dim3A_126 = arith.constant 16 : i32
      %broadcast_in_dim3A_127 = vector.broadcast %broadcast_in_dim3A_126 : i32 to vector<16xi32>
      %add3A_128 = arith.addi %broadcast_in_dim3A_127, %iota3A : vector<16xi32>
      %broadcast_in_dim3A_129 = arith.constant 1 : i32
      %broadcast_in_dim3A_130 = vector.broadcast %broadcast_in_dim3A_129 : i32 to vector<16xi32>
      %mul3A_131 = vector.broadcast %squeeze3A : i32 to vector<16xi32>
      %mul3A_132 = arith.muli %broadcast_in_dim3A_130, %mul3A_131 : vector<16xi32>
      %ge3A_133 = vector.broadcast %min3A_22 : i32 to vector<16xi32>
      %ge3A_134 = arith.cmpi sge, %add3A_121, %ge3A_133 : vector<16xi32>
      tpu.vector_store_idx %arg10[%mul3A_125, %add3A_128], %mul3A_132 masked %ge3A_134 : memref<16x128xi32, #tpu.memory_space<vmem>>[vector<16xi32>, vector<16xi32>], vector<16xi32>, vector<16xi1>
      %mul3A_135 = arith.constant 128 : i32
      %mul3A_136 = arith.muli %sub3A_97, %mul3A_135 : i32
      %add3A_137 = arith.constant 32 : i32
      %add3A_138 = arith.addi %mul3A_136, %add3A_137 : i32
      %add3A_139 = vector.broadcast %add3A_138 : i32 to vector<16xi32>
      %add3A_140 = arith.addi %add3A_139, %iota3A : vector<16xi32>
      %broadcast_in_dim3A_141 = arith.constant 1 : i32
      %broadcast_in_dim3A_142 = vector.broadcast %broadcast_in_dim3A_141 : i32 to vector<16xi32>
      %mul3A_143 = vector.broadcast %sub3A_97 : i32 to vector<16xi32>
      %mul3A_144 = arith.muli %broadcast_in_dim3A_142, %mul3A_143 : vector<16xi32>
      %broadcast_in_dim3A_145 = arith.constant 32 : i32
      %broadcast_in_dim3A_146 = vector.broadcast %broadcast_in_dim3A_145 : i32 to vector<16xi32>
      %add3A_147 = arith.addi %broadcast_in_dim3A_146, %iota3A : vector<16xi32>
      %broadcast_in_dim3A_148 = arith.constant 1 : i32
      %broadcast_in_dim3A_149 = vector.broadcast %broadcast_in_dim3A_148 : i32 to vector<16xi32>
      %mul3A_150 = vector.broadcast %squeeze3A : i32 to vector<16xi32>
      %mul3A_151 = arith.muli %broadcast_in_dim3A_149, %mul3A_150 : vector<16xi32>
      %ge3A_152 = vector.broadcast %min3A_22 : i32 to vector<16xi32>
      %ge3A_153 = arith.cmpi sge, %add3A_140, %ge3A_152 : vector<16xi32>
      tpu.vector_store_idx %arg10[%mul3A_144, %add3A_147], %mul3A_151 masked %ge3A_153 : memref<16x128xi32, #tpu.memory_space<vmem>>[vector<16xi32>, vector<16xi32>], vector<16xi32>, vector<16xi1>
      %mul3A_154 = arith.constant 128 : i32
      %mul3A_155 = arith.muli %sub3A_97, %mul3A_154 : i32
      %add3A_156 = arith.constant 48 : i32
      %add3A_157 = arith.addi %mul3A_155, %add3A_156 : i32
      %add3A_158 = vector.broadcast %add3A_157 : i32 to vector<16xi32>
      %add3A_159 = arith.addi %add3A_158, %iota3A : vector<16xi32>
      %broadcast_in_dim3A_160 = arith.constant 1 : i32
      %broadcast_in_dim3A_161 = vector.broadcast %broadcast_in_dim3A_160 : i32 to vector<16xi32>
      %mul3A_162 = vector.broadcast %sub3A_97 : i32 to vector<16xi32>
      %mul3A_163 = arith.muli %broadcast_in_dim3A_161, %mul3A_162 : vector<16xi32>
      %broadcast_in_dim3A_164 = arith.constant 48 : i32
      %broadcast_in_dim3A_165 = vector.broadcast %broadcast_in_dim3A_164 : i32 to vector<16xi32>
      %add3A_166 = arith.addi %broadcast_in_dim3A_165, %iota3A : vector<16xi32>
      %broadcast_in_dim3A_167 = arith.constant 1 : i32
      %broadcast_in_dim3A_168 = vector.broadcast %broadcast_in_dim3A_167 : i32 to vector<16xi32>
      %mul3A_169 = vector.broadcast %squeeze3A : i32 to vector<16xi32>
      %mul3A_170 = arith.muli %broadcast_in_dim3A_168, %mul3A_169 : vector<16xi32>
      %ge3A_171 = vector.broadcast %min3A_22 : i32 to vector<16xi32>
      %ge3A_172 = arith.cmpi sge, %add3A_159, %ge3A_171 : vector<16xi32>
      tpu.vector_store_idx %arg10[%mul3A_163, %add3A_166], %mul3A_170 masked %ge3A_172 : memref<16x128xi32, #tpu.memory_space<vmem>>[vector<16xi32>, vector<16xi32>], vector<16xi32>, vector<16xi1>
      %mul3A_173 = arith.constant 128 : i32
      %mul3A_174 = arith.muli %sub3A_97, %mul3A_173 : i32
      %add3A_175 = arith.constant 64 : i32
      %add3A_176 = arith.addi %mul3A_174, %add3A_175 : i32
      %add3A_177 = vector.broadcast %add3A_176 : i32 to vector<16xi32>
      %add3A_178 = arith.addi %add3A_177, %iota3A : vector<16xi32>
      %broadcast_in_dim3A_179 = arith.constant 1 : i32
      %broadcast_in_dim3A_180 = vector.broadcast %broadcast_in_dim3A_179 : i32 to vector<16xi32>
      %mul3A_181 = vector.broadcast %sub3A_97 : i32 to vector<16xi32>
      %mul3A_182 = arith.muli %broadcast_in_dim3A_180, %mul3A_181 : vector<16xi32>
      %broadcast_in_dim3A_183 = arith.constant 64 : i32
      %broadcast_in_dim3A_184 = vector.broadcast %broadcast_in_dim3A_183 : i32 to vector<16xi32>
      %add3A_185 = arith.addi %broadcast_in_dim3A_184, %iota3A : vector<16xi32>
      %broadcast_in_dim3A_186 = arith.constant 1 : i32
      %broadcast_in_dim3A_187 = vector.broadcast %broadcast_in_dim3A_186 : i32 to vector<16xi32>
      %mul3A_188 = vector.broadcast %squeeze3A : i32 to vector<16xi32>
      %mul3A_189 = arith.muli %broadcast_in_dim3A_187, %mul3A_188 : vector<16xi32>
      %ge3A_190 = vector.broadcast %min3A_22 : i32 to vector<16xi32>
      %ge3A_191 = arith.cmpi sge, %add3A_178, %ge3A_190 : vector<16xi32>
      tpu.vector_store_idx %arg10[%mul3A_182, %add3A_185], %mul3A_189 masked %ge3A_191 : memref<16x128xi32, #tpu.memory_space<vmem>>[vector<16xi32>, vector<16xi32>], vector<16xi32>, vector<16xi1>
      %mul3A_192 = arith.constant 128 : i32
      %mul3A_193 = arith.muli %sub3A_97, %mul3A_192 : i32
      %add3A_194 = arith.constant 80 : i32
      %add3A_195 = arith.addi %mul3A_193, %add3A_194 : i32
      %add3A_196 = vector.broadcast %add3A_195 : i32 to vector<16xi32>
      %add3A_197 = arith.addi %add3A_196, %iota3A : vector<16xi32>
      %broadcast_in_dim3A_198 = arith.constant 1 : i32
      %broadcast_in_dim3A_199 = vector.broadcast %broadcast_in_dim3A_198 : i32 to vector<16xi32>
      %mul3A_200 = vector.broadcast %sub3A_97 : i32 to vector<16xi32>
      %mul3A_201 = arith.muli %broadcast_in_dim3A_199, %mul3A_200 : vector<16xi32>
      %broadcast_in_dim3A_202 = arith.constant 80 : i32
      %broadcast_in_dim3A_203 = vector.broadcast %broadcast_in_dim3A_202 : i32 to vector<16xi32>
      %add3A_204 = arith.addi %broadcast_in_dim3A_203, %iota3A : vector<16xi32>
      %broadcast_in_dim3A_205 = arith.constant 1 : i32
      %broadcast_in_dim3A_206 = vector.broadcast %broadcast_in_dim3A_205 : i32 to vector<16xi32>
      %mul3A_207 = vector.broadcast %squeeze3A : i32 to vector<16xi32>
      %mul3A_208 = arith.muli %broadcast_in_dim3A_206, %mul3A_207 : vector<16xi32>
      %ge3A_209 = vector.broadcast %min3A_22 : i32 to vector<16xi32>
      %ge3A_210 = arith.cmpi sge, %add3A_197, %ge3A_209 : vector<16xi32>
      tpu.vector_store_idx %arg10[%mul3A_201, %add3A_204], %mul3A_208 masked %ge3A_210 : memref<16x128xi32, #tpu.memory_space<vmem>>[vector<16xi32>, vector<16xi32>], vector<16xi32>, vector<16xi1>
      %mul3A_211 = arith.constant 128 : i32
      %mul3A_212 = arith.muli %sub3A_97, %mul3A_211 : i32
      %add3A_213 = arith.constant 96 : i32
      %add3A_214 = arith.addi %mul3A_212, %add3A_213 : i32
      %add3A_215 = vector.broadcast %add3A_214 : i32 to vector<16xi32>
      %add3A_216 = arith.addi %add3A_215, %iota3A : vector<16xi32>
      %broadcast_in_dim3A_217 = arith.constant 1 : i32
      %broadcast_in_dim3A_218 = vector.broadcast %broadcast_in_dim3A_217 : i32 to vector<16xi32>
      %mul3A_219 = vector.broadcast %sub3A_97 : i32 to vector<16xi32>
      %mul3A_220 = arith.muli %broadcast_in_dim3A_218, %mul3A_219 : vector<16xi32>
      %broadcast_in_dim3A_221 = arith.constant 96 : i32
      %broadcast_in_dim3A_222 = vector.broadcast %broadcast_in_dim3A_221 : i32 to vector<16xi32>
      %add3A_223 = arith.addi %broadcast_in_dim3A_222, %iota3A : vector<16xi32>
      %broadcast_in_dim3A_224 = arith.constant 1 : i32
      %broadcast_in_dim3A_225 = vector.broadcast %broadcast_in_dim3A_224 : i32 to vector<16xi32>
      %mul3A_226 = vector.broadcast %squeeze3A : i32 to vector<16xi32>
      %mul3A_227 = arith.muli %broadcast_in_dim3A_225, %mul3A_226 : vector<16xi32>
      %ge3A_228 = vector.broadcast %min3A_22 : i32 to vector<16xi32>
      %ge3A_229 = arith.cmpi sge, %add3A_216, %ge3A_228 : vector<16xi32>
      tpu.vector_store_idx %arg10[%mul3A_220, %add3A_223], %mul3A_227 masked %ge3A_229 : memref<16x128xi32, #tpu.memory_space<vmem>>[vector<16xi32>, vector<16xi32>], vector<16xi32>, vector<16xi1>
      %mul3A_230 = arith.constant 128 : i32
      %mul3A_231 = arith.muli %sub3A_97, %mul3A_230 : i32
      %add3A_232 = arith.constant 112 : i32
      %add3A_233 = arith.addi %mul3A_231, %add3A_232 : i32
      %add3A_234 = vector.broadcast %add3A_233 : i32 to vector<16xi32>
      %add3A_235 = arith.addi %add3A_234, %iota3A : vector<16xi32>
      %broadcast_in_dim3A_236 = arith.constant 1 : i32
      %broadcast_in_dim3A_237 = vector.broadcast %broadcast_in_dim3A_236 : i32 to vector<16xi32>
      %mul3A_238 = vector.broadcast %sub3A_97 : i32 to vector<16xi32>
      %mul3A_239 = arith.muli %broadcast_in_dim3A_237, %mul3A_238 : vector<16xi32>
      %broadcast_in_dim3A_240 = arith.constant 112 : i32
      %broadcast_in_dim3A_241 = vector.broadcast %broadcast_in_dim3A_240 : i32 to vector<16xi32>
      %add3A_242 = arith.addi %broadcast_in_dim3A_241, %iota3A : vector<16xi32>
      %broadcast_in_dim3A_243 = arith.constant 1 : i32
      %broadcast_in_dim3A_244 = vector.broadcast %broadcast_in_dim3A_243 : i32 to vector<16xi32>
      %mul3A_245 = vector.broadcast %squeeze3A : i32 to vector<16xi32>
      %mul3A_246 = arith.muli %broadcast_in_dim3A_244, %mul3A_245 : vector<16xi32>
      %ge3A_247 = vector.broadcast %min3A_22 : i32 to vector<16xi32>
      %ge3A_248 = arith.cmpi sge, %add3A_235, %ge3A_247 : vector<16xi32>
      tpu.vector_store_idx %arg10[%mul3A_239, %add3A_242], %mul3A_246 masked %ge3A_248 : memref<16x128xi32, #tpu.memory_space<vmem>>[vector<16xi32>, vector<16xi32>], vector<16xi32>, vector<16xi1>
    } else {
    }
    %while3A_43 = arith.constant 0 : i32
    %while3A_44 = arith.constant 0 : i64
    %while3A_45 = arith.subi %select_n3A, %while3A_43 : i32
    %while3A_46 = arith.addi %while3A_43, %while3A_45 : i32
    %while3A_47 = arith.constant 1 : i32
    %while3A_48 = arith.divsi %while3A_45, %while3A_47 : i32
    %while3A_49 = arith.muli %while3A_48, %while3A_47 : i32
    %while3A_50 = arith.addi %while3A_43, %while3A_49 : i32
    %while3A_51 = arith.constant 1 : i32
    %while3A_52 = scf.for %while3A_55 = %while3A_43 to %while3A_50 step %while3A_51 iter_args(%while3A_56 = %while3A_44) -> (i64)  : i32 {
      %get3A = arith.constant 0 : i32
      %get3A_57 = tpu.memref_slice %arg10[%while3A_55, %get3A] : memref<16x128xi32, #tpu.memory_space<vmem>> -> memref<1x128xi32, #tpu.memory_space<vmem>>
      %get3A_58 = tpu.memref_squeeze %get3A_57 : memref<1x128xi32, #tpu.memory_space<vmem>> -> memref<128xi32, #tpu.memory_space<vmem>>
      %get3A_59 = arith.constant 0 : index
      %get3A_60 = tpu.vector_load %get3A_58[%get3A_59] {strides = array<i32>} : memref<128xi32, #tpu.memory_space<vmem>>, vector<16xi32>,
      %sub3A_61 = vector.broadcast %mul3A_2 : i32 to vector<16xi32>
      %sub3A_62 = arith.subi %get3A_60, %sub3A_61 : vector<16xi32>
      %gather3A = tpu.vector_load_idx %arg12[%sub3A_62] : memref<31250xi32, #tpu.memory_space<vmem>>[vector<16xi32>], vector<16xi32>,
      %swap3A = arith.constant 0 : index
      %swap3A_63 = tpu.vector_load %arg13[%swap3A] {strides = array<i32>} : memref<128xi32, #tpu.memory_space<vmem>>, vector<16xi32>,
      tpu.vector_store %arg13[%swap3A], %gather3A {strides = array<i32>} : memref<128xi32, #tpu.memory_space<vmem>>, vector<16xi32>,
      %get3A_64 = arith.constant 0 : i32
      %get3A_65 = tpu.memref_slice %arg10[%while3A_55, %get3A_64] : memref<16x128xi32, #tpu.memory_space<vmem>> -> memref<1x128xi32, #tpu.memory_space<vmem>>
      %get3A_66 = tpu.memref_squeeze %get3A_65 : memref<1x128xi32, #tpu.memory_space<vmem>> -> memref<128xi32, #tpu.memory_space<vmem>>
      %get3A_67 = arith.constant 16 : index
      %get3A_68 = tpu.vector_load %get3A_66[%get3A_67] {strides = array<i32>} : memref<128xi32, #tpu.memory_space<vmem>>, vector<16xi32>,
      %sub3A_69 = vector.broadcast %mul3A_2 : i32 to vector<16xi32>
      %sub3A_70 = arith.subi %get3A_68, %sub3A_69 : vector<16xi32>
      %gather3A_71 = tpu.vector_load_idx %arg12[%sub3A_70] : memref<31250xi32, #tpu.memory_space<vmem>>[vector<16xi32>], vector<16xi32>,
      %swap3A_72 = arith.constant 16 : index
      %swap3A_73 = tpu.vector_load %arg13[%swap3A_72] {strides = array<i32>} : memref<128xi32, #tpu.memory_space<vmem>>, vector<16xi32>,
      tpu.vector_store %arg13[%swap3A_72], %gather3A_71 {strides = array<i32>} : memref<128xi32, #tpu.memory_space<vmem>>, vector<16xi32>,
      %get3A_74 = arith.constant 0 : i32
      %get3A_75 = tpu.memref_slice %arg10[%while3A_55, %get3A_74] : memref<16x128xi32, #tpu.memory_space<vmem>> -> memref<1x128xi32, #tpu.memory_space<vmem>>
      %get3A_76 = tpu.memref_squeeze %get3A_75 : memref<1x128xi32, #tpu.memory_space<vmem>> -> memref<128xi32, #tpu.memory_space<vmem>>
      %get3A_77 = arith.constant 32 : index
      %get3A_78 = tpu.vector_load %get3A_76[%get3A_77] {strides = array<i32>} : memref<128xi32, #tpu.memory_space<vmem>>, vector<16xi32>,
      %sub3A_79 = vector.broadcast %mul3A_2 : i32 to vector<16xi32>
      %sub3A_80 = arith.subi %get3A_78, %sub3A_79 : vector<16xi32>
      %gather3A_81 = tpu.vector_load_idx %arg12[%sub3A_80] : memref<31250xi32, #tpu.memory_space<vmem>>[vector<16xi32>], vector<16xi32>,
      %swap3A_82 = arith.constant 32 : index
      %swap3A_83 = tpu.vector_load %arg13[%swap3A_82] {strides = array<i32>} : memref<128xi32, #tpu.memory_space<vmem>>, vector<16xi32>,
      tpu.vector_store %arg13[%swap3A_82], %gather3A_81 {strides = array<i32>} : memref<128xi32, #tpu.memory_space<vmem>>, vector<16xi32>,
      %get3A_84 = arith.constant 0 : i32
      %get3A_85 = tpu.memref_slice %arg10[%while3A_55, %get3A_84] : memref<16x128xi32, #tpu.memory_space<vmem>> -> memref<1x128xi32, #tpu.memory_space<vmem>>
      %get3A_86 = tpu.memref_squeeze %get3A_85 : memref<1x128xi32, #tpu.memory_space<vmem>> -> memref<128xi32, #tpu.memory_space<vmem>>
      %get3A_87 = arith.constant 48 : index
      %get3A_88 = tpu.vector_load %get3A_86[%get3A_87] {strides = array<i32>} : memref<128xi32, #tpu.memory_space<vmem>>, vector<16xi32>,
      %sub3A_89 = vector.broadcast %mul3A_2 : i32 to vector<16xi32>
      %sub3A_90 = arith.subi %get3A_88, %sub3A_89 : vector<16xi32>
      %gather3A_91 = tpu.vector_load_idx %arg12[%sub3A_90] : memref<31250xi32, #tpu.memory_space<vmem>>[vector<16xi32>], vector<16xi32>,
      %swap3A_92 = arith.constant 48 : index
      %swap3A_93 = tpu.vector_load %arg13[%swap3A_92] {strides = array<i32>} : memref<128xi32, #tpu.memory_space<vmem>>, vector<16xi32>,
      tpu.vector_store %arg13[%swap3A_92], %gather3A_91 {strides = array<i32>} : memref<128xi32, #tpu.memory_space<vmem>>, vector<16xi32>,
      %get3A_94 = arith.constant 0 : i32
      %get3A_95 = tpu.memref_slice %arg10[%while3A_55, %get3A_94] : memref<16x128xi32, #tpu.memory_space<vmem>> -> memref<1x128xi32, #tpu.memory_space<vmem>>
      %get3A_96 = tpu.memref_squeeze %get3A_95 : memref<1x128xi32, #tpu.memory_space<vmem>> -> memref<128xi32, #tpu.memory_space<vmem>>
      %get3A_97 = arith.constant 64 : index
      %get3A_98 = tpu.vector_load %get3A_96[%get3A_97] {strides = array<i32>} : memref<128xi32, #tpu.memory_space<vmem>>, vector<16xi32>,
      %sub3A_99 = vector.broadcast %mul3A_2 : i32 to vector<16xi32>
      %sub3A_100 = arith.subi %get3A_98, %sub3A_99 : vector<16xi32>
      %gather3A_101 = tpu.vector_load_idx %arg12[%sub3A_100] : memref<31250xi32, #tpu.memory_space<vmem>>[vector<16xi32>], vector<16xi32>,
      %swap3A_102 = arith.constant 64 : index
      %swap3A_103 = tpu.vector_load %arg13[%swap3A_102] {strides = array<i32>} : memref<128xi32, #tpu.memory_space<vmem>>, vector<16xi32>,
      tpu.vector_store %arg13[%swap3A_102], %gather3A_101 {strides = array<i32>} : memref<128xi32, #tpu.memory_space<vmem>>, vector<16xi32>,
      %get3A_104 = arith.constant 0 : i32
      %get3A_105 = tpu.memref_slice %arg10[%while3A_55, %get3A_104] : memref<16x128xi32, #tpu.memory_space<vmem>> -> memref<1x128xi32, #tpu.memory_space<vmem>>
      %get3A_106 = tpu.memref_squeeze %get3A_105 : memref<1x128xi32, #tpu.memory_space<vmem>> -> memref<128xi32, #tpu.memory_space<vmem>>
      %get3A_107 = arith.constant 80 : index
      %get3A_108 = tpu.vector_load %get3A_106[%get3A_107] {strides = array<i32>} : memref<128xi32, #tpu.memory_space<vmem>>, vector<16xi32>,
      %sub3A_109 = vector.broadcast %mul3A_2 : i32 to vector<16xi32>
      %sub3A_110 = arith.subi %get3A_108, %sub3A_109 : vector<16xi32>
      %gather3A_111 = tpu.vector_load_idx %arg12[%sub3A_110] : memref<31250xi32, #tpu.memory_space<vmem>>[vector<16xi32>], vector<16xi32>,
      %swap3A_112 = arith.constant 80 : index
      %swap3A_113 = tpu.vector_load %arg13[%swap3A_112] {strides = array<i32>} : memref<128xi32, #tpu.memory_space<vmem>>, vector<16xi32>,
      tpu.vector_store %arg13[%swap3A_112], %gather3A_111 {strides = array<i32>} : memref<128xi32, #tpu.memory_space<vmem>>, vector<16xi32>,
      %get3A_114 = arith.constant 0 : i32
      %get3A_115 = tpu.memref_slice %arg10[%while3A_55, %get3A_114] : memref<16x128xi32, #tpu.memory_space<vmem>> -> memref<1x128xi32, #tpu.memory_space<vmem>>
      %get3A_116 = tpu.memref_squeeze %get3A_115 : memref<1x128xi32, #tpu.memory_space<vmem>> -> memref<128xi32, #tpu.memory_space<vmem>>
      %get3A_117 = arith.constant 96 : index
      %get3A_118 = tpu.vector_load %get3A_116[%get3A_117] {strides = array<i32>} : memref<128xi32, #tpu.memory_space<vmem>>, vector<16xi32>,
      %sub3A_119 = vector.broadcast %mul3A_2 : i32 to vector<16xi32>
      %sub3A_120 = arith.subi %get3A_118, %sub3A_119 : vector<16xi32>
      %gather3A_121 = tpu.vector_load_idx %arg12[%sub3A_120] : memref<31250xi32, #tpu.memory_space<vmem>>[vector<16xi32>], vector<16xi32>,
      %swap3A_122 = arith.constant 96 : index
      %swap3A_123 = tpu.vector_load %arg13[%swap3A_122] {strides = array<i32>} : memref<128xi32, #tpu.memory_space<vmem>>, vector<16xi32>,
      tpu.vector_store %arg13[%swap3A_122], %gather3A_121 {strides = array<i32>} : memref<128xi32, #tpu.memory_space<vmem>>, vector<16xi32>,
      %get3A_124 = arith.constant 0 : i32
      %get3A_125 = tpu.memref_slice %arg10[%while3A_55, %get3A_124] : memref<16x128xi32, #tpu.memory_space<vmem>> -> memref<1x128xi32, #tpu.memory_space<vmem>>
      %get3A_126 = tpu.memref_squeeze %get3A_125 : memref<1x128xi32, #tpu.memory_space<vmem>> -> memref<128xi32, #tpu.memory_space<vmem>>
      %get3A_127 = arith.constant 112 : index
      %get3A_128 = tpu.vector_load %get3A_126[%get3A_127] {strides = array<i32>} : memref<128xi32, #tpu.memory_space<vmem>>, vector<16xi32>,
      %sub3A_129 = vector.broadcast %mul3A_2 : i32 to vector<16xi32>
      %sub3A_130 = arith.subi %get3A_128, %sub3A_129 : vector<16xi32>
      %gather3A_131 = tpu.vector_load_idx %arg12[%sub3A_130] : memref<31250xi32, #tpu.memory_space<vmem>>[vector<16xi32>], vector<16xi32>,
      %swap3A_132 = arith.constant 112 : index
      %swap3A_133 = tpu.vector_load %arg13[%swap3A_132] {strides = array<i32>} : memref<128xi32, #tpu.memory_space<vmem>>, vector<16xi32>,
      tpu.vector_store %arg13[%swap3A_132], %gather3A_131 {strides = array<i32>} : memref<128xi32, #tpu.memory_space<vmem>>, vector<16xi32>,
      %dma_start3A = arith.constant 0 : i32
      %dma_start3A_134 = arith.constant 0 : i32
      %dma_start3A_135 = tpu.memref_slice %arg5[%dma_start3A, %dma_start3A_134] : memref<16384x64xf32, #tpu.memory_space<hbm>> -> memref<16384x64xf32, #tpu.memory_space<hbm>>
      tpu.enqueue_indirect_dma source(%dma_start3A_135 : memref<16384x64xf32, #tpu.memory_space<hbm>>) target(%arg14 : memref<128x64xf32, #tpu.memory_space<vmem>>) offsets(%arg13 : memref<128xi32, #tpu.memory_space<vmem>>) semaphore(%arg16 : memref<!tpu.dma_semaphore, #tpu.memory_space<semaphore_mem>>)
      %dma_start3A_136 = arith.constant 0 : i32
      %dma_start3A_137 = tpu.memref_slice %arg6[%dma_start3A_136] : memref<16384xf32, #tpu.memory_space<hbm>> -> memref<16384xf32, #tpu.memory_space<hbm>>
      tpu.enqueue_indirect_dma source(%dma_start3A_137 : memref<16384xf32, #tpu.memory_space<hbm>>) target(%arg15 : memref<128xf32, #tpu.memory_space<vmem>>) offsets(%arg13 : memref<128xi32, #tpu.memory_space<vmem>>) semaphore(%arg16 : memref<!tpu.dma_semaphore, #tpu.memory_space<semaphore_mem>>)
      %dma_wait3A = arith.constant 0 : i32
      %dma_wait3A_138 = arith.constant 0 : i32
      %dma_wait3A_139 = tpu.memref_slice %arg5[%dma_wait3A, %dma_wait3A_138] : memref<16384x64xf32, #tpu.memory_space<hbm>> -> memref<16384x64xf32, #tpu.memory_space<hbm>>
      tpu.wait_indirect_dma semaphore(%arg16 : memref<!tpu.dma_semaphore, #tpu.memory_space<semaphore_mem>>) src(%dma_wait3A_139 : memref<16384x64xf32, #tpu.memory_space<hbm>>) dst(%arg14 : memref<128x64xf32, #tpu.memory_space<vmem>>)
      %dma_wait3A_140 = arith.constant 0 : i32
      %dma_wait3A_141 = tpu.memref_slice %arg6[%dma_wait3A_140] : memref<16384xf32, #tpu.memory_space<hbm>> -> memref<16384xf32, #tpu.memory_space<hbm>>
      tpu.wait_indirect_dma semaphore(%arg16 : memref<!tpu.dma_semaphore, #tpu.memory_space<semaphore_mem>>) src(%dma_wait3A_141 : memref<16384xf32, #tpu.memory_space<hbm>>) dst(%arg15 : memref<128xf32, #tpu.memory_space<vmem>>)
      %dma_start3A_142 = arith.constant 0 : i32
      %dma_start3A_143 = tpu.memref_slice %arg10[%while3A_55, %dma_start3A_142] : memref<16x128xi32, #tpu.memory_space<vmem>> -> memref<1x128xi32, #tpu.memory_space<vmem>>
      %dma_start3A_144 = tpu.memref_squeeze %dma_start3A_143 : memref<1x128xi32, #tpu.memory_space<vmem>> -> memref<128xi32, #tpu.memory_space<vmem>>
      %dma_start3A_145 = arith.constant 0 : i32
      %dma_start3A_146 = arith.constant 0 : i32
      %dma_start3A_147 = tpu.memref_slice %arg2[%dma_start3A_145, %dma_start3A_146] : memref<1000000x64xf32, #tpu.memory_space<hbm>> -> memref<1000000x64xf32, #tpu.memory_space<hbm>>
      tpu.enqueue_indirect_dma source(%arg14 : memref<128x64xf32, #tpu.memory_space<vmem>>) target(%dma_start3A_147 : memref<1000000x64xf32, #tpu.memory_space<hbm>>) offsets(%dma_start3A_144 : memref<128xi32, #tpu.memory_space<vmem>>) semaphore(%arg17 : memref<!tpu.dma_semaphore, #tpu.memory_space<semaphore_mem>>)
      %dma_start3A_148 = arith.constant 0 : i32
      %dma_start3A_149 = tpu.memref_slice %arg10[%while3A_55, %dma_start3A_148] : memref<16x128xi32, #tpu.memory_space<vmem>> -> memref<1x128xi32, #tpu.memory_space<vmem>>
      %dma_start3A_150 = tpu.memref_squeeze %dma_start3A_149 : memref<1x128xi32, #tpu.memory_space<vmem>> -> memref<128xi32, #tpu.memory_space<vmem>>
      %dma_start3A_151 = arith.constant 0 : i32
      %dma_start3A_152 = tpu.memref_slice %arg3[%dma_start3A_151] : memref<1000000xf32, #tpu.memory_space<hbm>> -> memref<1000000xf32, #tpu.memory_space<hbm>>
      tpu.enqueue_indirect_dma source(%arg15 : memref<128xf32, #tpu.memory_space<vmem>>) target(%dma_start3A_152 : memref<1000000xf32, #tpu.memory_space<hbm>>) offsets(%dma_start3A_150 : memref<128xi32, #tpu.memory_space<vmem>>) semaphore(%arg17 : memref<!tpu.dma_semaphore, #tpu.memory_space<semaphore_mem>>)
      %dma_wait3A_153 = arith.constant 0 : i32
      %dma_wait3A_154 = tpu.memref_slice %arg10[%while3A_55, %dma_wait3A_153] : memref<16x128xi32, #tpu.memory_space<vmem>> -> memref<1x128xi32, #tpu.memory_space<vmem>>
      %dma_wait3A_155 = tpu.memref_squeeze %dma_wait3A_154 : memref<1x128xi32, #tpu.memory_space<vmem>> -> memref<128xi32, #tpu.memory_space<vmem>>
      %dma_wait3A_156 = arith.constant 0 : i32
      %dma_wait3A_157 = arith.constant 0 : i32
      %dma_wait3A_158 = tpu.memref_slice %arg2[%dma_wait3A_156, %dma_wait3A_157] : memref<1000000x64xf32, #tpu.memory_space<hbm>> -> memref<1000000x64xf32, #tpu.memory_space<hbm>>
      tpu.wait_indirect_dma semaphore(%arg17 : memref<!tpu.dma_semaphore, #tpu.memory_space<semaphore_mem>>) src(%arg14 : memref<128x64xf32, #tpu.memory_space<vmem>>) dst(%dma_wait3A_158 : memref<1000000x64xf32, #tpu.memory_space<hbm>>)
      %dma_wait3A_159 = arith.constant 0 : i32
      %dma_wait3A_160 = tpu.memref_slice %arg10[%while3A_55, %dma_wait3A_159] : memref<16x128xi32, #tpu.memory_space<vmem>> -> memref<1x128xi32, #tpu.memory_space<vmem>>
      %dma_wait3A_161 = tpu.memref_squeeze %dma_wait3A_160 : memref<1x128xi32, #tpu.memory_space<vmem>> -> memref<128xi32, #tpu.memory_space<vmem>>
      %dma_wait3A_162 = arith.constant 0 : i32
      %dma_wait3A_163 = tpu.memref_slice %arg3[%dma_wait3A_162] : memref<1000000xf32, #tpu.memory_space<hbm>> -> memref<1000000xf32, #tpu.memory_space<hbm>>
      tpu.wait_indirect_dma semaphore(%arg17 : memref<!tpu.dma_semaphore, #tpu.memory_space<semaphore_mem>>) src(%arg15 : memref<128xf32, #tpu.memory_space<vmem>>) dst(%dma_wait3A_163 : memref<1000000xf32, #tpu.memory_space<hbm>>)
      %while3A_164 = arith.constant 0 : i64
      scf.yield %while3A_164 : i64
    }
    %while3A_53 = arith.constant 1 : i32
    %while3A_54 = scf.for %while3A_55 = %while3A_50 to %while3A_46 step %while3A_53 iter_args(%while3A_56 = %while3A_52) -> (i64)  : i32 {
      %get3A = arith.constant 0 : i32
      %get3A_57 = tpu.memref_slice %arg10[%while3A_55, %get3A] : memref<16x128xi32, #tpu.memory_space<vmem>> -> memref<1x128xi32, #tpu.memory_space<vmem>>
      %get3A_58 = tpu.memref_squeeze %get3A_57 : memref<1x128xi32, #tpu.memory_space<vmem>> -> memref<128xi32, #tpu.memory_space<vmem>>
      %get3A_59 = arith.constant 0 : index
      %get3A_60 = tpu.vector_load %get3A_58[%get3A_59] {strides = array<i32>} : memref<128xi32, #tpu.memory_space<vmem>>, vector<16xi32>,
      %sub3A_61 = vector.broadcast %mul3A_2 : i32 to vector<16xi32>
      %sub3A_62 = arith.subi %get3A_60, %sub3A_61 : vector<16xi32>
      %gather3A = tpu.vector_load_idx %arg12[%sub3A_62] : memref<31250xi32, #tpu.memory_space<vmem>>[vector<16xi32>], vector<16xi32>,
      %swap3A = arith.constant 0 : index
      %swap3A_63 = tpu.vector_load %arg13[%swap3A] {strides = array<i32>} : memref<128xi32, #tpu.memory_space<vmem>>, vector<16xi32>,
      tpu.vector_store %arg13[%swap3A], %gather3A {strides = array<i32>} : memref<128xi32, #tpu.memory_space<vmem>>, vector<16xi32>,
      %get3A_64 = arith.constant 0 : i32
      %get3A_65 = tpu.memref_slice %arg10[%while3A_55, %get3A_64] : memref<16x128xi32, #tpu.memory_space<vmem>> -> memref<1x128xi32, #tpu.memory_space<vmem>>
      %get3A_66 = tpu.memref_squeeze %get3A_65 : memref<1x128xi32, #tpu.memory_space<vmem>> -> memref<128xi32, #tpu.memory_space<vmem>>
      %get3A_67 = arith.constant 16 : index
      %get3A_68 = tpu.vector_load %get3A_66[%get3A_67] {strides = array<i32>} : memref<128xi32, #tpu.memory_space<vmem>>, vector<16xi32>,
      %sub3A_69 = vector.broadcast %mul3A_2 : i32 to vector<16xi32>
      %sub3A_70 = arith.subi %get3A_68, %sub3A_69 : vector<16xi32>
      %gather3A_71 = tpu.vector_load_idx %arg12[%sub3A_70] : memref<31250xi32, #tpu.memory_space<vmem>>[vector<16xi32>], vector<16xi32>,
      %swap3A_72 = arith.constant 16 : index
      %swap3A_73 = tpu.vector_load %arg13[%swap3A_72] {strides = array<i32>} : memref<128xi32, #tpu.memory_space<vmem>>, vector<16xi32>,
      tpu.vector_store %arg13[%swap3A_72], %gather3A_71 {strides = array<i32>} : memref<128xi32, #tpu.memory_space<vmem>>, vector<16xi32>,
      %get3A_74 = arith.constant 0 : i32
      %get3A_75 = tpu.memref_slice %arg10[%while3A_55, %get3A_74] : memref<16x128xi32, #tpu.memory_space<vmem>> -> memref<1x128xi32, #tpu.memory_space<vmem>>
      %get3A_76 = tpu.memref_squeeze %get3A_75 : memref<1x128xi32, #tpu.memory_space<vmem>> -> memref<128xi32, #tpu.memory_space<vmem>>
      %get3A_77 = arith.constant 32 : index
      %get3A_78 = tpu.vector_load %get3A_76[%get3A_77] {strides = array<i32>} : memref<128xi32, #tpu.memory_space<vmem>>, vector<16xi32>,
      %sub3A_79 = vector.broadcast %mul3A_2 : i32 to vector<16xi32>
      %sub3A_80 = arith.subi %get3A_78, %sub3A_79 : vector<16xi32>
      %gather3A_81 = tpu.vector_load_idx %arg12[%sub3A_80] : memref<31250xi32, #tpu.memory_space<vmem>>[vector<16xi32>], vector<16xi32>,
      %swap3A_82 = arith.constant 32 : index
      %swap3A_83 = tpu.vector_load %arg13[%swap3A_82] {strides = array<i32>} : memref<128xi32, #tpu.memory_space<vmem>>, vector<16xi32>,
      tpu.vector_store %arg13[%swap3A_82], %gather3A_81 {strides = array<i32>} : memref<128xi32, #tpu.memory_space<vmem>>, vector<16xi32>,
      %get3A_84 = arith.constant 0 : i32
      %get3A_85 = tpu.memref_slice %arg10[%while3A_55, %get3A_84] : memref<16x128xi32, #tpu.memory_space<vmem>> -> memref<1x128xi32, #tpu.memory_space<vmem>>
      %get3A_86 = tpu.memref_squeeze %get3A_85 : memref<1x128xi32, #tpu.memory_space<vmem>> -> memref<128xi32, #tpu.memory_space<vmem>>
      %get3A_87 = arith.constant 48 : index
      %get3A_88 = tpu.vector_load %get3A_86[%get3A_87] {strides = array<i32>} : memref<128xi32, #tpu.memory_space<vmem>>, vector<16xi32>,
      %sub3A_89 = vector.broadcast %mul3A_2 : i32 to vector<16xi32>
      %sub3A_90 = arith.subi %get3A_88, %sub3A_89 : vector<16xi32>
      %gather3A_91 = tpu.vector_load_idx %arg12[%sub3A_90] : memref<31250xi32, #tpu.memory_space<vmem>>[vector<16xi32>], vector<16xi32>,
      %swap3A_92 = arith.constant 48 : index
      %swap3A_93 = tpu.vector_load %arg13[%swap3A_92] {strides = array<i32>} : memref<128xi32, #tpu.memory_space<vmem>>, vector<16xi32>,
      tpu.vector_store %arg13[%swap3A_92], %gather3A_91 {strides = array<i32>} : memref<128xi32, #tpu.memory_space<vmem>>, vector<16xi32>,
      %get3A_94 = arith.constant 0 : i32
      %get3A_95 = tpu.memref_slice %arg10[%while3A_55, %get3A_94] : memref<16x128xi32, #tpu.memory_space<vmem>> -> memref<1x128xi32, #tpu.memory_space<vmem>>
      %get3A_96 = tpu.memref_squeeze %get3A_95 : memref<1x128xi32, #tpu.memory_space<vmem>> -> memref<128xi32, #tpu.memory_space<vmem>>
      %get3A_97 = arith.constant 64 : index
      %get3A_98 = tpu.vector_load %get3A_96[%get3A_97] {strides = array<i32>} : memref<128xi32, #tpu.memory_space<vmem>>, vector<16xi32>,
      %sub3A_99 = vector.broadcast %mul3A_2 : i32 to vector<16xi32>
      %sub3A_100 = arith.subi %get3A_98, %sub3A_99 : vector<16xi32>
      %gather3A_101 = tpu.vector_load_idx %arg12[%sub3A_100] : memref<31250xi32, #tpu.memory_space<vmem>>[vector<16xi32>], vector<16xi32>,
      %swap3A_102 = arith.constant 64 : index
      %swap3A_103 = tpu.vector_load %arg13[%swap3A_102] {strides = array<i32>} : memref<128xi32, #tpu.memory_space<vmem>>, vector<16xi32>,
      tpu.vector_store %arg13[%swap3A_102], %gather3A_101 {strides = array<i32>} : memref<128xi32, #tpu.memory_space<vmem>>, vector<16xi32>,
      %get3A_104 = arith.constant 0 : i32
      %get3A_105 = tpu.memref_slice %arg10[%while3A_55, %get3A_104] : memref<16x128xi32, #tpu.memory_space<vmem>> -> memref<1x128xi32, #tpu.memory_space<vmem>>
      %get3A_106 = tpu.memref_squeeze %get3A_105 : memref<1x128xi32, #tpu.memory_space<vmem>> -> memref<128xi32, #tpu.memory_space<vmem>>
      %get3A_107 = arith.constant 80 : index
      %get3A_108 = tpu.vector_load %get3A_106[%get3A_107] {strides = array<i32>} : memref<128xi32, #tpu.memory_space<vmem>>, vector<16xi32>,
      %sub3A_109 = vector.broadcast %mul3A_2 : i32 to vector<16xi32>
      %sub3A_110 = arith.subi %get3A_108, %sub3A_109 : vector<16xi32>
      %gather3A_111 = tpu.vector_load_idx %arg12[%sub3A_110] : memref<31250xi32, #tpu.memory_space<vmem>>[vector<16xi32>], vector<16xi32>,
      %swap3A_112 = arith.constant 80 : index
      %swap3A_113 = tpu.vector_load %arg13[%swap3A_112] {strides = array<i32>} : memref<128xi32, #tpu.memory_space<vmem>>, vector<16xi32>,
      tpu.vector_store %arg13[%swap3A_112], %gather3A_111 {strides = array<i32>} : memref<128xi32, #tpu.memory_space<vmem>>, vector<16xi32>,
      %get3A_114 = arith.constant 0 : i32
      %get3A_115 = tpu.memref_slice %arg10[%while3A_55, %get3A_114] : memref<16x128xi32, #tpu.memory_space<vmem>> -> memref<1x128xi32, #tpu.memory_space<vmem>>
      %get3A_116 = tpu.memref_squeeze %get3A_115 : memref<1x128xi32, #tpu.memory_space<vmem>> -> memref<128xi32, #tpu.memory_space<vmem>>
      %get3A_117 = arith.constant 96 : index
      %get3A_118 = tpu.vector_load %get3A_116[%get3A_117] {strides = array<i32>} : memref<128xi32, #tpu.memory_space<vmem>>, vector<16xi32>,
      %sub3A_119 = vector.broadcast %mul3A_2 : i32 to vector<16xi32>
      %sub3A_120 = arith.subi %get3A_118, %sub3A_119 : vector<16xi32>
      %gather3A_121 = tpu.vector_load_idx %arg12[%sub3A_120] : memref<31250xi32, #tpu.memory_space<vmem>>[vector<16xi32>], vector<16xi32>,
      %swap3A_122 = arith.constant 96 : index
      %swap3A_123 = tpu.vector_load %arg13[%swap3A_122] {strides = array<i32>} : memref<128xi32, #tpu.memory_space<vmem>>, vector<16xi32>,
      tpu.vector_store %arg13[%swap3A_122], %gather3A_121 {strides = array<i32>} : memref<128xi32, #tpu.memory_space<vmem>>, vector<16xi32>,
      %get3A_124 = arith.constant 0 : i32
      %get3A_125 = tpu.memref_slice %arg10[%while3A_55, %get3A_124] : memref<16x128xi32, #tpu.memory_space<vmem>> -> memref<1x128xi32, #tpu.memory_space<vmem>>
      %get3A_126 = tpu.memref_squeeze %get3A_125 : memref<1x128xi32, #tpu.memory_space<vmem>> -> memref<128xi32, #tpu.memory_space<vmem>>
      %get3A_127 = arith.constant 112 : index
      %get3A_128 = tpu.vector_load %get3A_126[%get3A_127] {strides = array<i32>} : memref<128xi32, #tpu.memory_space<vmem>>, vector<16xi32>,
      %sub3A_129 = vector.broadcast %mul3A_2 : i32 to vector<16xi32>
      %sub3A_130 = arith.subi %get3A_128, %sub3A_129 : vector<16xi32>
      %gather3A_131 = tpu.vector_load_idx %arg12[%sub3A_130] : memref<31250xi32, #tpu.memory_space<vmem>>[vector<16xi32>], vector<16xi32>,
      %swap3A_132 = arith.constant 112 : index
      %swap3A_133 = tpu.vector_load %arg13[%swap3A_132] {strides = array<i32>} : memref<128xi32, #tpu.memory_space<vmem>>, vector<16xi32>,
      tpu.vector_store %arg13[%swap3A_132], %gather3A_131 {strides = array<i32>} : memref<128xi32, #tpu.memory_space<vmem>>, vector<16xi32>,
      %dma_start3A = arith.constant 0 : i32
      %dma_start3A_134 = arith.constant 0 : i32
      %dma_start3A_135 = tpu.memref_slice %arg5[%dma_start3A, %dma_start3A_134] : memref<16384x64xf32, #tpu.memory_space<hbm>> -> memref<16384x64xf32, #tpu.memory_space<hbm>>
      tpu.enqueue_indirect_dma source(%dma_start3A_135 : memref<16384x64xf32, #tpu.memory_space<hbm>>) target(%arg14 : memref<128x64xf32, #tpu.memory_space<vmem>>) offsets(%arg13 : memref<128xi32, #tpu.memory_space<vmem>>) semaphore(%arg16 : memref<!tpu.dma_semaphore, #tpu.memory_space<semaphore_mem>>)
      %dma_start3A_136 = arith.constant 0 : i32
      %dma_start3A_137 = tpu.memref_slice %arg6[%dma_start3A_136] : memref<16384xf32, #tpu.memory_space<hbm>> -> memref<16384xf32, #tpu.memory_space<hbm>>
      tpu.enqueue_indirect_dma source(%dma_start3A_137 : memref<16384xf32, #tpu.memory_space<hbm>>) target(%arg15 : memref<128xf32, #tpu.memory_space<vmem>>) offsets(%arg13 : memref<128xi32, #tpu.memory_space<vmem>>) semaphore(%arg16 : memref<!tpu.dma_semaphore, #tpu.memory_space<semaphore_mem>>)
      %dma_wait3A = arith.constant 0 : i32
      %dma_wait3A_138 = arith.constant 0 : i32
      %dma_wait3A_139 = tpu.memref_slice %arg5[%dma_wait3A, %dma_wait3A_138] : memref<16384x64xf32, #tpu.memory_space<hbm>> -> memref<16384x64xf32, #tpu.memory_space<hbm>>
      tpu.wait_indirect_dma semaphore(%arg16 : memref<!tpu.dma_semaphore, #tpu.memory_space<semaphore_mem>>) src(%dma_wait3A_139 : memref<16384x64xf32, #tpu.memory_space<hbm>>) dst(%arg14 : memref<128x64xf32, #tpu.memory_space<vmem>>)
      %dma_wait3A_140 = arith.constant 0 : i32
      %dma_wait3A_141 = tpu.memref_slice %arg6[%dma_wait3A_140] : memref<16384xf32, #tpu.memory_space<hbm>> -> memref<16384xf32, #tpu.memory_space<hbm>>
      tpu.wait_indirect_dma semaphore(%arg16 : memref<!tpu.dma_semaphore, #tpu.memory_space<semaphore_mem>>) src(%dma_wait3A_141 : memref<16384xf32, #tpu.memory_space<hbm>>) dst(%arg15 : memref<128xf32, #tpu.memory_space<vmem>>)
      %dma_start3A_142 = arith.constant 0 : i32
      %dma_start3A_143 = tpu.memref_slice %arg10[%while3A_55, %dma_start3A_142] : memref<16x128xi32, #tpu.memory_space<vmem>> -> memref<1x128xi32, #tpu.memory_space<vmem>>
      %dma_start3A_144 = tpu.memref_squeeze %dma_start3A_143 : memref<1x128xi32, #tpu.memory_space<vmem>> -> memref<128xi32, #tpu.memory_space<vmem>>
      %dma_start3A_145 = arith.constant 0 : i32
      %dma_start3A_146 = arith.constant 0 : i32
      %dma_start3A_147 = tpu.memref_slice %arg2[%dma_start3A_145, %dma_start3A_146] : memref<1000000x64xf32, #tpu.memory_space<hbm>> -> memref<1000000x64xf32, #tpu.memory_space<hbm>>
      tpu.enqueue_indirect_dma source(%arg14 : memref<128x64xf32, #tpu.memory_space<vmem>>) target(%dma_start3A_147 : memref<1000000x64xf32, #tpu.memory_space<hbm>>) offsets(%dma_start3A_144 : memref<128xi32, #tpu.memory_space<vmem>>) semaphore(%arg17 : memref<!tpu.dma_semaphore, #tpu.memory_space<semaphore_mem>>)
      %dma_start3A_148 = arith.constant 0 : i32
      %dma_start3A_149 = tpu.memref_slice %arg10[%while3A_55, %dma_start3A_148] : memref<16x128xi32, #tpu.memory_space<vmem>> -> memref<1x128xi32, #tpu.memory_space<vmem>>
      %dma_start3A_150 = tpu.memref_squeeze %dma_start3A_149 : memref<1x128xi32, #tpu.memory_space<vmem>> -> memref<128xi32, #tpu.memory_space<vmem>>
      %dma_start3A_151 = arith.constant 0 : i32
      %dma_start3A_152 = tpu.memref_slice %arg3[%dma_start3A_151] : memref<1000000xf32, #tpu.memory_space<hbm>> -> memref<1000000xf32, #tpu.memory_space<hbm>>
      tpu.enqueue_indirect_dma source(%arg15 : memref<128xf32, #tpu.memory_space<vmem>>) target(%dma_start3A_152 : memref<1000000xf32, #tpu.memory_space<hbm>>) offsets(%dma_start3A_150 : memref<128xi32, #tpu.memory_space<vmem>>) semaphore(%arg17 : memref<!tpu.dma_semaphore, #tpu.memory_space<semaphore_mem>>)
      %dma_wait3A_153 = arith.constant 0 : i32
      %dma_wait3A_154 = tpu.memref_slice %arg10[%while3A_55, %dma_wait3A_153] : memref<16x128xi32, #tpu.memory_space<vmem>> -> memref<1x128xi32, #tpu.memory_space<vmem>>
      %dma_wait3A_155 = tpu.memref_squeeze %dma_wait3A_154 : memref<1x128xi32, #tpu.memory_space<vmem>> -> memref<128xi32, #tpu.memory_space<vmem>>
      %dma_wait3A_156 = arith.constant 0 : i32
      %dma_wait3A_157 = arith.constant 0 : i32
      %dma_wait3A_158 = tpu.memref_slice %arg2[%dma_wait3A_156, %dma_wait3A_157] : memref<1000000x64xf32, #tpu.memory_space<hbm>> -> memref<1000000x64xf32, #tpu.memory_space<hbm>>
      tpu.wait_indirect_dma semaphore(%arg17 : memref<!tpu.dma_semaphore, #tpu.memory_space<semaphore_mem>>) src(%arg14 : memref<128x64xf32, #tpu.memory_space<vmem>>) dst(%dma_wait3A_158 : memref<1000000x64xf32, #tpu.memory_space<hbm>>)
      %dma_wait3A_159 = arith.constant 0 : i32
      %dma_wait3A_160 = tpu.memref_slice %arg10[%while3A_55, %dma_wait3A_159] : memref<16x128xi32, #tpu.memory_space<vmem>> -> memref<1x128xi32, #tpu.memory_space<vmem>>
      %dma_wait3A_161 = tpu.memref_squeeze %dma_wait3A_160 : memref<1x128xi32, #tpu.memory_space<vmem>> -> memref<128xi32, #tpu.memory_space<vmem>>
      %dma_wait3A_162 = arith.constant 0 : i32
      %dma_wait3A_163 = tpu.memref_slice %arg3[%dma_wait3A_162] : memref<1000000xf32, #tpu.memory_space<hbm>> -> memref<1000000xf32, #tpu.memory_space<hbm>>
      tpu.wait_indirect_dma semaphore(%arg17 : memref<!tpu.dma_semaphore, #tpu.memory_space<semaphore_mem>>) src(%arg15 : memref<128xf32, #tpu.memory_space<vmem>>) dst(%dma_wait3A_163 : memref<1000000xf32, #tpu.memory_space<hbm>>)
      %while3A_164 = arith.constant 0 : i64
      scf.yield %while3A_164 : i64
    }
    return
  }
}

#map = affine_map<(d0, d1) -> (0, 0)>
#map1 = affine_map<(d0, d1) -> (0)>
module attributes {stable_mosaic.version = 14 : i64} {
  func.func @new_body(%arg0: i32, %arg1: i32, %arg2: memref<1000000x64xf32, #tpu.memory_space<hbm>>, %arg3: memref<16384xi32, #tpu.memory_space<hbm>>, %arg4: memref<16384x64xf32, #tpu.memory_space<hbm>>, %arg5: memref<1000000x64xf32, #tpu.memory_space<hbm>>, %arg6: memref<512xi32, #tpu.memory_space<vmem>>, %arg7: memref<512x64xf32, #tpu.memory_space<vmem>>, %arg8: memref<!tpu.dma_semaphore, #tpu.memory_space<semaphore_mem>>) attributes {dimension_semantics = [#tpu.dimension_semantics<core_parallel>, #tpu.dimension_semantics<subcore_parallel>], iteration_bounds = array<i64: 2, 16>, scalar_prefetch = 0 : i64, scratch_operands = 3 : i64, tpu.core_type = #tpu.core_type<sc_vector_subcore>, window_params = [{transform_indices = #map}, {transform_indices = #map1}, {transform_indices = #map}, {transform_indices = #map}]} {
    %mul3A = arith.constant 2 : i32
    %mul3A_0 = arith.muli %arg1, %mul3A : i32
    %add3A = arith.addi %mul3A_0, %arg0 : i32
    %mul3A_1 = arith.constant 512 : i32
    %mul3A_2 = arith.muli %add3A, %mul3A_1 : i32
    "tpu.region"() ({
      %run_scoped3A = tpu.sem_alloc : memref<!tpu.dma_semaphore, #tpu.memory_space<semaphore_mem>>
      %dma_start3A_65 = tpu.memref_slice %arg3[%mul3A_2] : memref<16384xi32, #tpu.memory_space<hbm>> -> memref<512xi32, #tpu.memory_space<hbm>>
      %dma_start3A_66 = tpu.memref_slice %arg3[%mul3A_2] : memref<16384xi32, #tpu.memory_space<hbm>> -> memref<512xi32, #tpu.memory_space<hbm>>
      tpu.enqueue_dma source(%dma_start3A_66 : memref<512xi32, #tpu.memory_space<hbm>>) target(%arg6 : memref<512xi32, #tpu.memory_space<vmem>>) target_semaphore(%run_scoped3A : memref<!tpu.dma_semaphore, #tpu.memory_space<semaphore_mem>>)
      %dma_wait3A_67 = tpu.memref_slice %arg3[%mul3A_2] : memref<16384xi32, #tpu.memory_space<hbm>> -> memref<512xi32, #tpu.memory_space<hbm>>
      %dma_wait3A_68 = tpu.memref_slice %arg3[%mul3A_2] : memref<16384xi32, #tpu.memory_space<hbm>> -> memref<512xi32, #tpu.memory_space<hbm>>
      tpu.wait_dma2 semaphore(%run_scoped3A : memref<!tpu.dma_semaphore, #tpu.memory_space<semaphore_mem>>) src(%dma_wait3A_68 : memref<512xi32, #tpu.memory_space<hbm>>) dst(%arg6 : memref<512xi32, #tpu.memory_space<vmem>>)
      tpu.yield
    }) : () -> ()
    %dma_start3A = arith.constant 0 : i32
    %dma_start3A_3 = arith.constant 0 : i32
    %dma_start3A_4 = tpu.memref_slice %arg7[%dma_start3A, %dma_start3A_3] : memref<512x64xf32, #tpu.memory_space<vmem>> -> memref<128x64xf32, #tpu.memory_space<vmem>>
    %dma_start3A_5 = arith.constant 0 : i32
    %dma_start3A_6 = tpu.memref_slice %arg6[%dma_start3A_5] : memref<512xi32, #tpu.memory_space<vmem>> -> memref<128xi32, #tpu.memory_space<vmem>>
    %dma_start3A_7 = arith.constant 0 : i32
    %dma_start3A_8 = arith.constant 0 : i32
    %dma_start3A_9 = tpu.memref_slice %arg2[%dma_start3A_7, %dma_start3A_8] : memref<1000000x64xf32, #tpu.memory_space<hbm>> -> memref<1000000x64xf32, #tpu.memory_space<hbm>>
    tpu.enqueue_indirect_dma source(%dma_start3A_9 : memref<1000000x64xf32, #tpu.memory_space<hbm>>) target(%dma_start3A_4 : memref<128x64xf32, #tpu.memory_space<vmem>>) offsets(%dma_start3A_6 : memref<128xi32, #tpu.memory_space<vmem>>) semaphore(%arg8 : memref<!tpu.dma_semaphore, #tpu.memory_space<semaphore_mem>>)
    %dma_start3A_10 = arith.constant 128 : i32
    %dma_start3A_11 = arith.constant 0 : i32
    %dma_start3A_12 = tpu.memref_slice %arg7[%dma_start3A_10, %dma_start3A_11] : memref<512x64xf32, #tpu.memory_space<vmem>> -> memref<128x64xf32, #tpu.memory_space<vmem>>
    %dma_start3A_13 = arith.constant 128 : i32
    %dma_start3A_14 = tpu.memref_slice %arg6[%dma_start3A_13] : memref<512xi32, #tpu.memory_space<vmem>> -> memref<128xi32, #tpu.memory_space<vmem>>
    %dma_start3A_15 = arith.constant 0 : i32
    %dma_start3A_16 = arith.constant 0 : i32
    %dma_start3A_17 = tpu.memref_slice %arg2[%dma_start3A_15, %dma_start3A_16] : memref<1000000x64xf32, #tpu.memory_space<hbm>> -> memref<1000000x64xf32, #tpu.memory_space<hbm>>
    tpu.enqueue_indirect_dma source(%dma_start3A_17 : memref<1000000x64xf32, #tpu.memory_space<hbm>>) target(%dma_start3A_12 : memref<128x64xf32, #tpu.memory_space<vmem>>) offsets(%dma_start3A_14 : memref<128xi32, #tpu.memory_space<vmem>>) semaphore(%arg8 : memref<!tpu.dma_semaphore, #tpu.memory_space<semaphore_mem>>)
    %dma_start3A_18 = arith.constant 256 : i32
    %dma_start3A_19 = arith.constant 0 : i32
    %dma_start3A_20 = tpu.memref_slice %arg7[%dma_start3A_18, %dma_start3A_19] : memref<512x64xf32, #tpu.memory_space<vmem>> -> memref<128x64xf32, #tpu.memory_space<vmem>>
    %dma_start3A_21 = arith.constant 256 : i32
    %dma_start3A_22 = tpu.memref_slice %arg6[%dma_start3A_21] : memref<512xi32, #tpu.memory_space<vmem>> -> memref<128xi32, #tpu.memory_space<vmem>>
    %dma_start3A_23 = arith.constant 0 : i32
    %dma_start3A_24 = arith.constant 0 : i32
    %dma_start3A_25 = tpu.memref_slice %arg2[%dma_start3A_23, %dma_start3A_24] : memref<1000000x64xf32, #tpu.memory_space<hbm>> -> memref<1000000x64xf32, #tpu.memory_space<hbm>>
    tpu.enqueue_indirect_dma source(%dma_start3A_25 : memref<1000000x64xf32, #tpu.memory_space<hbm>>) target(%dma_start3A_20 : memref<128x64xf32, #tpu.memory_space<vmem>>) offsets(%dma_start3A_22 : memref<128xi32, #tpu.memory_space<vmem>>) semaphore(%arg8 : memref<!tpu.dma_semaphore, #tpu.memory_space<semaphore_mem>>)
    %dma_start3A_26 = arith.constant 384 : i32
    %dma_start3A_27 = arith.constant 0 : i32
    %dma_start3A_28 = tpu.memref_slice %arg7[%dma_start3A_26, %dma_start3A_27] : memref<512x64xf32, #tpu.memory_space<vmem>> -> memref<128x64xf32, #tpu.memory_space<vmem>>
    %dma_start3A_29 = arith.constant 384 : i32
    %dma_start3A_30 = tpu.memref_slice %arg6[%dma_start3A_29] : memref<512xi32, #tpu.memory_space<vmem>> -> memref<128xi32, #tpu.memory_space<vmem>>
    %dma_start3A_31 = arith.constant 0 : i32
    %dma_start3A_32 = arith.constant 0 : i32
    %dma_start3A_33 = tpu.memref_slice %arg2[%dma_start3A_31, %dma_start3A_32] : memref<1000000x64xf32, #tpu.memory_space<hbm>> -> memref<1000000x64xf32, #tpu.memory_space<hbm>>
    tpu.enqueue_indirect_dma source(%dma_start3A_33 : memref<1000000x64xf32, #tpu.memory_space<hbm>>) target(%dma_start3A_28 : memref<128x64xf32, #tpu.memory_space<vmem>>) offsets(%dma_start3A_30 : memref<128xi32, #tpu.memory_space<vmem>>) semaphore(%arg8 : memref<!tpu.dma_semaphore, #tpu.memory_space<semaphore_mem>>)
    %dma_wait3A = arith.constant 0 : i32
    %dma_wait3A_34 = arith.constant 0 : i32
    %dma_wait3A_35 = tpu.memref_slice %arg7[%dma_wait3A, %dma_wait3A_34] : memref<512x64xf32, #tpu.memory_space<vmem>> -> memref<128x64xf32, #tpu.memory_space<vmem>>
    %dma_wait3A_36 = arith.constant 0 : i32
    %dma_wait3A_37 = tpu.memref_slice %arg6[%dma_wait3A_36] : memref<512xi32, #tpu.memory_space<vmem>> -> memref<128xi32, #tpu.memory_space<vmem>>
    %dma_wait3A_38 = arith.constant 0 : i32
    %dma_wait3A_39 = arith.constant 0 : i32
    %dma_wait3A_40 = tpu.memref_slice %arg2[%dma_wait3A_38, %dma_wait3A_39] : memref<1000000x64xf32, #tpu.memory_space<hbm>> -> memref<1000000x64xf32, #tpu.memory_space<hbm>>
    tpu.wait_indirect_dma semaphore(%arg8 : memref<!tpu.dma_semaphore, #tpu.memory_space<semaphore_mem>>) src(%dma_wait3A_40 : memref<1000000x64xf32, #tpu.memory_space<hbm>>) dst(%dma_wait3A_35 : memref<128x64xf32, #tpu.memory_space<vmem>>)
    %dma_wait3A_41 = arith.constant 128 : i32
    %dma_wait3A_42 = arith.constant 0 : i32
    %dma_wait3A_43 = tpu.memref_slice %arg7[%dma_wait3A_41, %dma_wait3A_42] : memref<512x64xf32, #tpu.memory_space<vmem>> -> memref<128x64xf32, #tpu.memory_space<vmem>>
    %dma_wait3A_44 = arith.constant 128 : i32
    %dma_wait3A_45 = tpu.memref_slice %arg6[%dma_wait3A_44] : memref<512xi32, #tpu.memory_space<vmem>> -> memref<128xi32, #tpu.memory_space<vmem>>
    %dma_wait3A_46 = arith.constant 0 : i32
    %dma_wait3A_47 = arith.constant 0 : i32
    %dma_wait3A_48 = tpu.memref_slice %arg2[%dma_wait3A_46, %dma_wait3A_47] : memref<1000000x64xf32, #tpu.memory_space<hbm>> -> memref<1000000x64xf32, #tpu.memory_space<hbm>>
    tpu.wait_indirect_dma semaphore(%arg8 : memref<!tpu.dma_semaphore, #tpu.memory_space<semaphore_mem>>) src(%dma_wait3A_48 : memref<1000000x64xf32, #tpu.memory_space<hbm>>) dst(%dma_wait3A_43 : memref<128x64xf32, #tpu.memory_space<vmem>>)
    %dma_wait3A_49 = arith.constant 256 : i32
    %dma_wait3A_50 = arith.constant 0 : i32
    %dma_wait3A_51 = tpu.memref_slice %arg7[%dma_wait3A_49, %dma_wait3A_50] : memref<512x64xf32, #tpu.memory_space<vmem>> -> memref<128x64xf32, #tpu.memory_space<vmem>>
    %dma_wait3A_52 = arith.constant 256 : i32
    %dma_wait3A_53 = tpu.memref_slice %arg6[%dma_wait3A_52] : memref<512xi32, #tpu.memory_space<vmem>> -> memref<128xi32, #tpu.memory_space<vmem>>
    %dma_wait3A_54 = arith.constant 0 : i32
    %dma_wait3A_55 = arith.constant 0 : i32
    %dma_wait3A_56 = tpu.memref_slice %arg2[%dma_wait3A_54, %dma_wait3A_55] : memref<1000000x64xf32, #tpu.memory_space<hbm>> -> memref<1000000x64xf32, #tpu.memory_space<hbm>>
    tpu.wait_indirect_dma semaphore(%arg8 : memref<!tpu.dma_semaphore, #tpu.memory_space<semaphore_mem>>) src(%dma_wait3A_56 : memref<1000000x64xf32, #tpu.memory_space<hbm>>) dst(%dma_wait3A_51 : memref<128x64xf32, #tpu.memory_space<vmem>>)
    %dma_wait3A_57 = arith.constant 384 : i32
    %dma_wait3A_58 = arith.constant 0 : i32
    %dma_wait3A_59 = tpu.memref_slice %arg7[%dma_wait3A_57, %dma_wait3A_58] : memref<512x64xf32, #tpu.memory_space<vmem>> -> memref<128x64xf32, #tpu.memory_space<vmem>>
    %dma_wait3A_60 = arith.constant 384 : i32
    %dma_wait3A_61 = tpu.memref_slice %arg6[%dma_wait3A_60] : memref<512xi32, #tpu.memory_space<vmem>> -> memref<128xi32, #tpu.memory_space<vmem>>
    %dma_wait3A_62 = arith.constant 0 : i32
    %dma_wait3A_63 = arith.constant 0 : i32
    %dma_wait3A_64 = tpu.memref_slice %arg2[%dma_wait3A_62, %dma_wait3A_63] : memref<1000000x64xf32, #tpu.memory_space<hbm>> -> memref<1000000x64xf32, #tpu.memory_space<hbm>>
    tpu.wait_indirect_dma semaphore(%arg8 : memref<!tpu.dma_semaphore, #tpu.memory_space<semaphore_mem>>) src(%dma_wait3A_64 : memref<1000000x64xf32, #tpu.memory_space<hbm>>) dst(%dma_wait3A_59 : memref<128x64xf32, #tpu.memory_space<vmem>>)
    "tpu.region"() ({
      %run_scoped3A = tpu.sem_alloc : memref<!tpu.dma_semaphore, #tpu.memory_space<semaphore_mem>>
      %dma_start3A_65 = arith.constant 0 : i32
      %dma_start3A_66 = tpu.memref_slice %arg4[%mul3A_2, %dma_start3A_65] : memref<16384x64xf32, #tpu.memory_space<hbm>> -> memref<512x64xf32, #tpu.memory_space<hbm>>
      %dma_start3A_67 = arith.constant 0 : i32
      %dma_start3A_68 = tpu.memref_slice %arg4[%mul3A_2, %dma_start3A_67] : memref<16384x64xf32, #tpu.memory_space<hbm>> -> memref<512x64xf32, #tpu.memory_space<hbm>>
      tpu.enqueue_dma source(%arg7 : memref<512x64xf32, #tpu.memory_space<vmem>>) target(%dma_start3A_68 : memref<512x64xf32, #tpu.memory_space<hbm>>) target_semaphore(%run_scoped3A : memref<!tpu.dma_semaphore, #tpu.memory_space<semaphore_mem>>)
      %dma_wait3A_69 = arith.constant 0 : i32
      %dma_wait3A_70 = tpu.memref_slice %arg4[%mul3A_2, %dma_wait3A_69] : memref<16384x64xf32, #tpu.memory_space<hbm>> -> memref<512x64xf32, #tpu.memory_space<hbm>>
      %dma_wait3A_71 = arith.constant 0 : i32
      %dma_wait3A_72 = tpu.memref_slice %arg4[%mul3A_2, %dma_wait3A_71] : memref<16384x64xf32, #tpu.memory_space<hbm>> -> memref<512x64xf32, #tpu.memory_space<hbm>>
      tpu.wait_dma2 semaphore(%run_scoped3A : memref<!tpu.dma_semaphore, #tpu.memory_space<semaphore_mem>>) src(%arg7 : memref<512x64xf32, #tpu.memory_space<vmem>>) dst(%dma_wait3A_72 : memref<512x64xf32, #tpu.memory_space<hbm>>)
      tpu.yield
    }) : () -> ()
    return
  }
}

module attributes {stable_mosaic.version = 14 : i64} {
  func.func @_gru_body(%arg0: i32, %arg1: memref<1024x128xf32, #tpu.memory_space<vmem>>, %arg2: memref<1024x64xf32, #tpu.memory_space<vmem>>, %arg3: memref<64x128xf32, #tpu.memory_space<vmem>>, %arg4: memref<64x128xf32, #tpu.memory_space<vmem>>, %arg5: memref<64x128xf32, #tpu.memory_space<vmem>>, %arg6: memref<64x64xf32, #tpu.memory_space<vmem>>, %arg7: memref<64x64xf32, #tpu.memory_space<vmem>>, %arg8: memref<64x64xf32, #tpu.memory_space<vmem>>, %arg9: memref<1x64xf32, #tpu.memory_space<vmem>>, %arg10: memref<1x64xf32, #tpu.memory_space<vmem>>, %arg11: memref<1x64xf32, #tpu.memory_space<vmem>>, %arg12: memref<1x64xf32, #tpu.memory_space<vmem>>, %arg13: memref<1024x64xf32, #tpu.memory_space<vmem>>) attributes {dimension_semantics = [#tpu.dimension_semantics<arbitrary>], iteration_bounds = array<i64: 16>, scalar_prefetch = 0 : i64, scratch_operands = 0 : i64, tpu.core_type = #tpu.core_type<tc>, window_params = [{transform_indices = @transform_0, window_bounds = array<i64: 1024, 128>}, {transform_indices = @transform_1, window_bounds = array<i64: 1024, 64>}, {pipeline_mode = #tpu.pipeline_mode<synchronous>, transform_indices = @transform_2, window_bounds = array<i64: 64, 128>}, {pipeline_mode = #tpu.pipeline_mode<synchronous>, transform_indices = @transform_3, window_bounds = array<i64: 64, 128>}, {pipeline_mode = #tpu.pipeline_mode<synchronous>, transform_indices = @transform_4, window_bounds = array<i64: 64, 128>}, {pipeline_mode = #tpu.pipeline_mode<synchronous>, transform_indices = @transform_5, window_bounds = array<i64: 64, 64>}, {pipeline_mode = #tpu.pipeline_mode<synchronous>, transform_indices = @transform_6, window_bounds = array<i64: 64, 64>}, {pipeline_mode = #tpu.pipeline_mode<synchronous>, transform_indices = @transform_7, window_bounds = array<i64: 64, 64>}, {pipeline_mode = #tpu.pipeline_mode<synchronous>, transform_indices = @transform_8, window_bounds = array<i64: 1, 64>}, {pipeline_mode = #tpu.pipeline_mode<synchronous>, transform_indices = @transform_9, window_bounds = array<i64: 1, 64>}, {pipeline_mode = #tpu.pipeline_mode<synchronous>, transform_indices = @transform_10, window_bounds = array<i64: 1, 64>}, {pipeline_mode = #tpu.pipeline_mode<synchronous>, transform_indices = @transform_11, window_bounds = array<i64: 1, 64>}, {transform_indices = @transform_12, window_bounds = array<i64: 1024, 64>}]} {
    %get3A = arith.constant 0 : index
    %get3A_0 = arith.constant 0 : index
    %get3A_1 = vector.load %arg1[%get3A, %get3A_0] : memref<1024x128xf32, #tpu.memory_space<vmem>>, vector<1024x128xf32>
    %get3A_2 = arith.constant 0 : index
    %get3A_3 = arith.constant 0 : index
    %get3A_4 = vector.load %arg2[%get3A_2, %get3A_3] : memref<1024x64xf32, #tpu.memory_space<vmem>>, vector<1024x64xf32>
    %get3A_5 = arith.constant 0 : index
    %get3A_6 = arith.constant 0 : index
    %get3A_7 = vector.load %arg3[%get3A_5, %get3A_6] : memref<64x128xf32, #tpu.memory_space<vmem>>, vector<64x128xf32>
    %dot_general3A = arith.constant dense<0.000000e+00> : vector<1024x64xf32>
    %dot_general3A_8 = tpu.matmul %get3A_1, %get3A_7, %dot_general3A {dimension_numbers = #tpu.dot_dimension_numbers<[1], [1], [0], [0], [0, 0, 1, 0], [], []>, transpose_lhs_hint = false} : vector<1024x128xf32>, vector<64x128xf32>, vector<1024x64xf32> -> vector<1024x64xf32>
    %get3A_9 = arith.constant 0 : index
    %get3A_10 = arith.constant 0 : index
    %get3A_11 = vector.load %arg6[%get3A_9, %get3A_10] : memref<64x64xf32, #tpu.memory_space<vmem>>, vector<64x64xf32>
    %dot_general3A_12 = arith.constant dense<0.000000e+00> : vector<1024x64xf32>
    %dot_general3A_13 = tpu.matmul %get3A_4, %get3A_11, %dot_general3A_12 {dimension_numbers = #tpu.dot_dimension_numbers<[1], [1], [0], [0], [0, 0, 1, 0], [], []>, transpose_lhs_hint = false} : vector<1024x64xf32>, vector<64x64xf32>, vector<1024x64xf32> -> vector<1024x64xf32>
    %add3A = arith.addf %dot_general3A_8, %dot_general3A_13 : vector<1024x64xf32>
    %get3A_14 = arith.constant 0 : index
    %get3A_15 = arith.constant 0 : index
    %get3A_16 = vector.load %arg9[%get3A_14, %get3A_15] : memref<1x64xf32, #tpu.memory_space<vmem>>, vector<1x64xf32>
    %add3A_17 = vector.broadcast %get3A_16 : vector<1x64xf32> to vector<1024x64xf32>
    %add3A_18 = arith.addf %add3A, %add3A_17 : vector<1024x64xf32>
    %logistic3A = arith.negf %add3A_18 : vector<1024x64xf32>
    %logistic3A_19 = math.exp %logistic3A : vector<1024x64xf32>
    %logistic3A_20 = arith.constant 1.000000e+00 : f32
    %logistic3A_21 = vector.broadcast %logistic3A_20 : f32 to vector<1024x64xf32>
    %logistic3A_22 = arith.addf %logistic3A_21, %logistic3A_19 : vector<1024x64xf32>
    %logistic3A_23 = arith.divf %logistic3A_21, %logistic3A_22 : vector<1024x64xf32>
    %get3A_24 = arith.constant 0 : index
    %get3A_25 = arith.constant 0 : index
    %get3A_26 = vector.load %arg4[%get3A_24, %get3A_25] : memref<64x128xf32, #tpu.memory_space<vmem>>, vector<64x128xf32>
    %dot_general3A_27 = arith.constant dense<0.000000e+00> : vector<1024x64xf32>
    %dot_general3A_28 = tpu.matmul %get3A_1, %get3A_26, %dot_general3A_27 {dimension_numbers = #tpu.dot_dimension_numbers<[1], [1], [0], [0], [0, 0, 1, 0], [], []>, transpose_lhs_hint = false} : vector<1024x128xf32>, vector<64x128xf32>, vector<1024x64xf32> -> vector<1024x64xf32>
    %get3A_29 = arith.constant 0 : index
    %get3A_30 = arith.constant 0 : index
    %get3A_31 = vector.load %arg7[%get3A_29, %get3A_30] : memref<64x64xf32, #tpu.memory_space<vmem>>, vector<64x64xf32>
    %dot_general3A_32 = arith.constant dense<0.000000e+00> : vector<1024x64xf32>
    %dot_general3A_33 = tpu.matmul %get3A_4, %get3A_31, %dot_general3A_32 {dimension_numbers = #tpu.dot_dimension_numbers<[1], [1], [0], [0], [0, 0, 1, 0], [], []>, transpose_lhs_hint = false} : vector<1024x64xf32>, vector<64x64xf32>, vector<1024x64xf32> -> vector<1024x64xf32>
    %add3A_34 = arith.addf %dot_general3A_28, %dot_general3A_33 : vector<1024x64xf32>
    %get3A_35 = arith.constant 0 : index
    %get3A_36 = arith.constant 0 : index
    %get3A_37 = vector.load %arg10[%get3A_35, %get3A_36] : memref<1x64xf32, #tpu.memory_space<vmem>>, vector<1x64xf32>
    %add3A_38 = vector.broadcast %get3A_37 : vector<1x64xf32> to vector<1024x64xf32>
    %add3A_39 = arith.addf %add3A_34, %add3A_38 : vector<1024x64xf32>
    %logistic3A_40 = arith.negf %add3A_39 : vector<1024x64xf32>
    %logistic3A_41 = math.exp %logistic3A_40 : vector<1024x64xf32>
    %logistic3A_42 = arith.constant 1.000000e+00 : f32
    %logistic3A_43 = vector.broadcast %logistic3A_42 : f32 to vector<1024x64xf32>
    %logistic3A_44 = arith.addf %logistic3A_43, %logistic3A_41 : vector<1024x64xf32>
    %logistic3A_45 = arith.divf %logistic3A_43, %logistic3A_44 : vector<1024x64xf32>
    %get3A_46 = arith.constant 0 : index
    %get3A_47 = arith.constant 0 : index
    %get3A_48 = vector.load %arg5[%get3A_46, %get3A_47] : memref<64x128xf32, #tpu.memory_space<vmem>>, vector<64x128xf32>
    %dot_general3A_49 = arith.constant dense<0.000000e+00> : vector<1024x64xf32>
    %dot_general3A_50 = tpu.matmul %get3A_1, %get3A_48, %dot_general3A_49 {dimension_numbers = #tpu.dot_dimension_numbers<[1], [1], [0], [0], [0, 0, 1, 0], [], []>, transpose_lhs_hint = false} : vector<1024x128xf32>, vector<64x128xf32>, vector<1024x64xf32> -> vector<1024x64xf32>
    %get3A_51 = arith.constant 0 : index
    %get3A_52 = arith.constant 0 : index
    %get3A_53 = vector.load %arg11[%get3A_51, %get3A_52] : memref<1x64xf32, #tpu.memory_space<vmem>>, vector<1x64xf32>
    %add3A_54 = vector.broadcast %get3A_53 : vector<1x64xf32> to vector<1024x64xf32>
    %add3A_55 = arith.addf %dot_general3A_50, %add3A_54 : vector<1024x64xf32>
    %get3A_56 = arith.constant 0 : index
    %get3A_57 = arith.constant 0 : index
    %get3A_58 = vector.load %arg8[%get3A_56, %get3A_57] : memref<64x64xf32, #tpu.memory_space<vmem>>, vector<64x64xf32>
    %dot_general3A_59 = arith.constant dense<0.000000e+00> : vector<1024x64xf32>
    %dot_general3A_60 = tpu.matmul %get3A_4, %get3A_58, %dot_general3A_59 {dimension_numbers = #tpu.dot_dimension_numbers<[1], [1], [0], [0], [0, 0, 1, 0], [], []>, transpose_lhs_hint = false} : vector<1024x64xf32>, vector<64x64xf32>, vector<1024x64xf32> -> vector<1024x64xf32>
    %get3A_61 = arith.constant 0 : index
    %get3A_62 = arith.constant 0 : index
    %get3A_63 = vector.load %arg12[%get3A_61, %get3A_62] : memref<1x64xf32, #tpu.memory_space<vmem>>, vector<1x64xf32>
    %add3A_64 = vector.broadcast %get3A_63 : vector<1x64xf32> to vector<1024x64xf32>
    %add3A_65 = arith.addf %dot_general3A_60, %add3A_64 : vector<1024x64xf32>
    %mul3A = arith.mulf %logistic3A_23, %add3A_65 : vector<1024x64xf32>
    %add3A_66 = arith.addf %add3A_55, %mul3A : vector<1024x64xf32>
    %tanh3A = math.tanh %add3A_66 : vector<1024x64xf32>
    %sub3A = arith.constant 1.000000e+00 : f32
    %sub3A_67 = vector.broadcast %sub3A : f32 to vector<1024x64xf32>
    %sub3A_68 = arith.subf %sub3A_67, %logistic3A_45 : vector<1024x64xf32>
    %mul3A_69 = arith.mulf %sub3A_68, %tanh3A : vector<1024x64xf32>
    %mul3A_70 = arith.mulf %logistic3A_45, %get3A_4 : vector<1024x64xf32>
    %add3A_71 = arith.addf %mul3A_69, %mul3A_70 : vector<1024x64xf32>
    %swap3A = arith.constant 0 : index
    %swap3A_72 = arith.constant 0 : index
    %swap3A_73 = vector.load %arg13[%swap3A, %swap3A_72] : memref<1024x64xf32, #tpu.memory_space<vmem>>, vector<1024x64xf32>
    tpu.vector_store %arg13[%swap3A, %swap3A_72], %add3A_71 {strides = array<i32>} : memref<1024x64xf32, #tpu.memory_space<vmem>>, vector<1024x64xf32>,
    return
  }
  func.func @transform_0(%arg0: i32) -> (i32, i32) {
    %c0_i32 = arith.constant 0 : i32
    %c0_i32_0 = arith.constant 0 : i32
    return %arg0, %c0_i32 : i32, i32
  }
  func.func @transform_1(%arg0: i32) -> (i32, i32) {
    %c0_i32 = arith.constant 0 : i32
    %c0_i32_0 = arith.constant 0 : i32
    return %arg0, %c0_i32 : i32, i32
  }
  func.func @transform_2(%arg0: i32) -> (i32, i32) {
    %c0_i32 = arith.constant 0 : i32
    %c0_i32_0 = arith.constant 0 : i32
    %c0_i32_1 = arith.constant 0 : i32
    return %c0_i32, %c0_i32_0 : i32, i32
  }
  func.func @transform_3(%arg0: i32) -> (i32, i32) {
    %c0_i32 = arith.constant 0 : i32
    %c0_i32_0 = arith.constant 0 : i32
    %c0_i32_1 = arith.constant 0 : i32
    return %c0_i32, %c0_i32_0 : i32, i32
  }
  func.func @transform_4(%arg0: i32) -> (i32, i32) {
    %c0_i32 = arith.constant 0 : i32
    %c0_i32_0 = arith.constant 0 : i32
    %c0_i32_1 = arith.constant 0 : i32
    return %c0_i32, %c0_i32_0 : i32, i32
  }
  func.func @transform_5(%arg0: i32) -> (i32, i32) {
    %c0_i32 = arith.constant 0 : i32
    %c0_i32_0 = arith.constant 0 : i32
    %c0_i32_1 = arith.constant 0 : i32
    return %c0_i32, %c0_i32_0 : i32, i32
  }
  func.func @transform_6(%arg0: i32) -> (i32, i32) {
    %c0_i32 = arith.constant 0 : i32
    %c0_i32_0 = arith.constant 0 : i32
    %c0_i32_1 = arith.constant 0 : i32
    return %c0_i32, %c0_i32_0 : i32, i32
  }
  func.func @transform_7(%arg0: i32) -> (i32, i32) {
    %c0_i32 = arith.constant 0 : i32
    %c0_i32_0 = arith.constant 0 : i32
    %c0_i32_1 = arith.constant 0 : i32
    return %c0_i32, %c0_i32_0 : i32, i32
  }
  func.func @transform_8(%arg0: i32) -> (i32, i32) {
    %c0_i32 = arith.constant 0 : i32
    %c0_i32_0 = arith.constant 0 : i32
    %c0_i32_1 = arith.constant 0 : i32
    return %c0_i32, %c0_i32_0 : i32, i32
  }
  func.func @transform_9(%arg0: i32) -> (i32, i32) {
    %c0_i32 = arith.constant 0 : i32
    %c0_i32_0 = arith.constant 0 : i32
    %c0_i32_1 = arith.constant 0 : i32
    return %c0_i32, %c0_i32_0 : i32, i32
  }
  func.func @transform_10(%arg0: i32) -> (i32, i32) {
    %c0_i32 = arith.constant 0 : i32
    %c0_i32_0 = arith.constant 0 : i32
    %c0_i32_1 = arith.constant 0 : i32
    return %c0_i32, %c0_i32_0 : i32, i32
  }
  func.func @transform_11(%arg0: i32) -> (i32, i32) {
    %c0_i32 = arith.constant 0 : i32
    %c0_i32_0 = arith.constant 0 : i32
    %c0_i32_1 = arith.constant 0 : i32
    return %c0_i32, %c0_i32_0 : i32, i32
  }
  func.func @transform_12(%arg0: i32) -> (i32, i32) {
    %c0_i32 = arith.constant 0 : i32
    %c0_i32_0 = arith.constant 0 : i32
    return %arg0, %c0_i32 : i32, i32
  }
}

</mosaic_0001>

<sc_bundles>
// kernel: kernel.5.cloned.1.call-start
scs
__scs_entry_jumppad:
0x0: {  	(pc) =	sbr.rel $0x88, $3  }
0x1: {  	(tag) =	ssettag $0x0;
	lr =	simm.s32 $0x1  }
0x2: {  	[smem:$0x3F98] =	sst lr;
	_ =	strace $0xD0000000  }
0x3: {  	_ = 	snop  }
0x4: {  	_ = 	snop  }
0x5: {  	_ = 	snop  }
0x6: {  	_ = 	snop  }
0x7: {  	_ = 	snop  }
__scs_overlays_trampoline_lowered:
0x8: {  	[smem:$0x3FA7] =	sst s0  }
0x9: {  	[smem:$0x3FA8] =	sst s1  }
0xa: {  	[smem:$0x3FA9] =	sst s2  }
0xb: {  	[smem:$0x3FAA] =	sst s3  }
0xc: {  	[smem:$0x3FAB] =	sst s4  }
0xd: {  	[smem:$0x3FAC] =	sst s5  }
0xe: {  	[smem:$0x3FAD] =	sst s6  }
0xf: {  	[smem:$0x3FAE] =	sst s7  }
0x10: {  	[smem:$0x3FAF] =	sst s8  }
0x11: {  	[smem:$0x3FB0] =	sst s9;
	s0 =	simm.s32 @!p0 $0x0  }
0x12: {  	s1 =	sld [smem:$0x3F96];
	s0 =	simm.s32 @p0 $0x1  }
0x13: {  	[smem:$0x3FB1] =	sst s0;
	s0 =	simm.s32 @!p1 $0x0  }
0x14: {  	s2 =	sld [smem:$0x3F95];
	s0 =	simm.s32 @p1 $0x1  }
0x15: {  	[smem:$0x3FB2] =	sst s0;
	s0 =	simm.s32 @!p2 $0x0  }
0x16: {  	s3 =	sld [smem:$0x3FDB];
	s0 =	simm.s32 @p2 $0x1  }
0x17: {  	s4 =	simm.s32 $0x1BF5;
	[smem:$0x3FB4] =	sst s0  }
0x18: {  	s0 =	sld [smem:$0x3F97];
	_ =	swait.ge [sflag:s4], $0x0  }
0x19: {  	s7 =	sld [smem:$0x3F98]  }
0x1a: {  	s8 =	sadd.s32 $0xFFFFE003, lr  }
0x1b: {  	s9 =	sadd.s32 $0xFFFFFEF7, lr;
	s5 =	simm.s32 $0xFFFFFFFF;
	p2 =	slt.u32 s8, $0xFFFFF086  }
0x1c: {  	p1 =	slt.u32 s9, $0xF7A;
	s5 =	simm.s32 @!p2 $0x0  }
0x1d: {  	s5 =	simm.s32 @p1 $0x1;
	p0 =	seq.s32 s7, s2  }
0x1e: {  	s7 =	smul.u32 @!p0 $0xF7A, s2;
	p2 =	seq.s32 @!p0 s5, $0x0  }
0x1f: {  	s9 =	smul.u32 $0xF7A, s1;
	s8 =	simm.s32 @!p0 $0x1BF5;
	p2 =	por !p2, p0  }
0x20: {  	[sflag:s8] =	ssyncset.s32 @!p0 $0xFFFFF086;
	s6 =	sadd.s32 @!p0 s3, s7;
	s7 =	simm.s32 @!p0 $0x108  }
0x21: {  	s3 =	sadd.s32 s3, s9;
	s6 =	sadd.s32 @!p0 $0x88, s6;
	s7 =	simm.s32 @p2 $0x1082  }
0x22: {  	[simem:s7], [sflag:s8] =	dma.local @!p0 [hbm:s6], $0xF7A  }
0x23: {  	s9 =	sor.u32 $0xD0000000, s2;
	s6 =	simm.s32 $0x108;
	_ =	swait.ge @!p0 [sflag:s8], $0x0  }
0x24: {  	s3 =	sadd.s32 $0x88, s3;
	s6 =	simm.s32 @!p1 $0x1082;
	[sflag:s4] =	ssyncset.s32 $0xFFFFF086  }
0x25: {  	[simem:s6], [sflag:s4] =	dma.local [hbm:s3], $0xF7A  }
0x26: {  	[smem:$0x3F98] =	sst s1;
	(tag) =	ssettag s2;
	_ =	strace s9  }
0x27: {  	s1 =	sld [smem:$0x3FA8]  }
0x28: {  	s2 =	sld [smem:$0x3FA9]  }
0x29: {  	s4 =	sld [smem:$0x3FAB]  }
0x2a: {  	p0 =	seq.s32 s5, $0x0;
	s5 =	sld [smem:$0x3FAC]  }
0x2b: {  	s6 =	sld [smem:$0x3FAD]  }
0x2c: {  	s7 =	sld [smem:$0x3FAE]  }
0x2d: {  	s3 =	simm.s32 $0x108;
	s8 =	sld [smem:$0x3FAF]  }
0x2e: {  	s3 =	simm.s32 @!p0 $0x1082;
	s9 =	sld [smem:$0x3FB0]  }
0x2f: {  	lr =	sadd.s32 s0, s3;
	s0 =	sld [smem:$0x3FA7]  }
0x30: {  	s3 =	sld [smem:$0x3FAA]  }
0x31: {  	[smem:$0x3FB3] =	sst s10  }
0x32: {  	s10 =	sld [smem:$0x3FB1];
	_ =	sdelay $0x3  }
0x33: {  	p0 =	seq.s32 s10, $0x1;
	s10 =	sld [smem:$0x3FB3];
	_ =	sdelay $0x3  }
0x34: {  	[smem:$0x3FB3] =	sst s10  }
0x35: {  	s10 =	sld [smem:$0x3FB2];
	_ =	sdelay $0x3  }
0x36: {  	p1 =	seq.s32 s10, $0x1;
	s10 =	sld [smem:$0x3FB3];
	_ =	sdelay $0x3  }
0x37: {  	[smem:$0x3FB3] =	sst s10  }
0x38: {  	s10 =	sld [smem:$0x3FB4]  }
0x39: {  	_ = 	snop;
	(pc) =	sbr.ind lr, $3  }
0x3a: {  	_ = 	snop  }
0x3b: {  	_ = 	snop  }
0x3c: {  	p2 =	seq.s32 s10, $0x1;
	s10 =	sld [smem:$0x3FB3]  }
0x3d: {  	_ =	shalt  }
0x3e: {  	_ =	shalt  }
0x3f: {  	_ =	shalt  }
0x40: {  	_ =	shalt  }
0x41: {  	_ =	shalt  }
0x42: {  	_ =	shalt  }
0x43: {  	_ =	shalt  }
0x44: {  	_ =	shalt  }
0x45: {  	_ =	shalt  }
0x46: {  	_ =	shalt  }
0x47: {  	_ =	shalt  }
0x48: {  	_ =	shalt  }
0x49: {  	_ =	shalt  }
0x4a: {  	_ =	shalt  }
0x4b: {  	_ =	shalt  }
0x4c: {  	_ =	shalt  }
0x4d: {  	_ =	shalt  }
0x4e: {  	_ =	shalt  }
0x4f: {  	_ =	shalt  }
0x50: {  	_ =	shalt  }
0x51: {  	_ =	shalt  }
0x52: {  	_ =	shalt  }
0x53: {  	_ =	shalt  }
0x54: {  	_ =	shalt  }
0x55: {  	_ =	shalt  }
0x56: {  	_ =	shalt  }
0x57: {  	_ =	shalt  }
0x58: {  	_ =	shalt  }
0x59: {  	_ =	shalt  }
0x5a: {  	_ =	shalt  }
0x5b: {  	_ =	shalt  }
0x5c: {  	_ =	shalt  }
0x5d: {  	_ =	shalt  }
0x5e: {  	_ =	shalt  }
0x5f: {  	_ =	shalt  }
0x60: {  	_ =	shalt  }
0x61: {  	_ =	shalt  }
0x62: {  	_ =	shalt  }
0x63: {  	_ =	shalt  }
0x64: {  	_ =	shalt  }
0x65: {  	_ =	shalt  }
0x66: {  	_ =	shalt  }
0x67: {  	_ =	shalt  }
0x68: {  	_ =	shalt  }
0x69: {  	_ =	shalt  }
0x6a: {  	_ =	shalt  }
0x6b: {  	_ =	shalt  }
0x6c: {  	_ =	shalt  }
0x6d: {  	_ =	shalt  }
0x6e: {  	_ =	shalt  }
0x6f: {  	_ =	shalt  }
0x70: {  	_ =	shalt  }
0x71: {  	_ =	shalt  }
0x72: {  	_ =	shalt  }
0x73: {  	_ =	shalt  }
0x74: {  	_ =	shalt  }
0x75: {  	_ =	shalt  }
0x76: {  	_ =	shalt  }
0x77: {  	_ =	shalt  }
0x78: {  	_ =	shalt  }
0x79: {  	_ =	shalt  }
0x7a: {  	_ =	shalt  }
0x7b: {  	_ =	shalt  }
0x7c: {  	_ =	shalt  }
0x7d: {  	_ =	shalt  }
0x7e: {  	_ =	shalt  }
0x7f: {  	_ =	shalt  }
0x80: {  	_ =	shalt  }
0x81: {  	_ =	shalt  }
0x82: {  	_ =	shalt  }
0x83: {  	_ =	shalt  }
0x84: {  	_ =	shalt  }
0x85: {  	_ =	shalt  }
0x86: {  	_ =	shalt  }
0x87: {  	_ =	shalt  }
.Lfunc_end0:
.L_simem_size_0:
called_computation.1_lowered:
.L_overlay_start_0:
0x88: {  	s2 =	sld [smem:$0x3FD9]  }
0x89: {  	s3 =	sld [smem:$0x3FFE];
	_ =	sdelay $0x1  }
0x8a: {  	s1 =	srdreg.scid  }
0x8b: {  	s0 =	sand.u32 $0x1, s1  }
0x8c: {  	s14 =	sshll.u32 s0, $0xA;
	s2 =	sadd.s32 s3, s2  }
0x8d: {  	s2 =	sadd.s32 s2, s14  }
0x8e: {  	[smem:$0x3FBF] =	sst s2  }
0x8f: {  	_ = 	snop  }
0x90: {  	s2 =	sld [smem:$0x3FD0];
	_ =	sdelay $0x2  }
0x91: {  	s15 =	simm.s32 $0xA;
	s4 =	simm.s32 $0x10  }
0x92: {  	[smem:s4], [sflag:s15] =	dma.local [hbm:s2], $0x1  }
0x93: {  	_ =	swait.eq [sflag:s15], $0x1  }
0x94: {  	[sflag:s15] =	ssyncset.done $0x0  }
0x95: {  	[sflag:s15] =	ssyncadd.s32 $0xFFFFFFFF  }
0x96: {  	s16 =	sld [smem:$0x10];
	(tm) =	ssettm $0x1  }
0x97: {  	s17 =	sld [smem:$0x3FFB];
	_ =	sdelay $0x3  }
0x98: {  	_ =	strace s17  }
0x99: {  	s3 =	sld [smem:$0x3FFC];
	_ =	sdelay $0x3  }
0x9a: {  	_ =	strace s3  }
0x9b: {  	s3 =	sld [smem:$0x3FFD];
	_ =	sdelay $0x3  }
0x9c: {  	_ =	strace s3  }
0x9d: {  	_ =	strace $0x8FFFFFFF  }
0x9e: {  	s18 =	sld [smem:$0x3FDB];
	_ =	sdelay $0x1  }
0x9f: {  	s19 =	simm.s32 $_scs_section_size  }
0xa0: {  	s5 =	simm.s32 $_size__tile_overlayer_lowered;
	s6 =	simm.s32 $_tile_overlayer_lowered  }
0xa1: {  	s22 =	simm.s32 $0x1BFF;
	s21 =	sshll.u32 s6, $0x1;
	s3 =	sadd.s32 s19, s18  }
0xa2: {  	s7 =	simm.s32 $0x0;
	s20 =	sshll.u32 s5, $0x1;
	s5 =	sadd.s32 s21, s3  }
0xa3: {  	[timem:s7], [sflag:s22] =	dma.local [hbm:s5], s20  }
0xa4: {  	_ =	swait.ge [sflag:s22], s20  }
0xa5: {  	s4 =	ssub.s32 $0x0, s20;
	[sflag:s22] =	ssyncset.done $0x0  }
0xa6: {  	[sflag:s22] =	ssyncadd.s32 s4;
	_ =	sdelay $0x1  }
0xa7: {  	s23 =	simm.s32 $0x1B8B  }
0xa8: {  	_ =	swait.ge [sflag:s23], $0x1  }
0xa9: {  	[sflag:s23] =	ssyncset.done $0x0  }
0xaa: {  	s25 =	simm.s32 $0x1B8E;
	s24 =	sld [smem:$0x3FFE];
	[sflag:s23] =	ssyncadd.s32 $0xFFFFFFFF  }
0xab: {  	s26 =	simm.s32 $execute0_lowered;
	[smem:$0x3FD2] =	sst s25  }
0xac: {  	s5 =	sshll.u32 s26, $0x1;
	_ =	strace $0x80000046;
	[dreg:$0x1] =	wrdreg $0xFFFFFFFF  }
0xad: {  	s28 =	simm.s32 $_size_execute0_lowered;
	s3 =	sadd.s32 s3, s5;
	[dreg:$0x0] =	wrdreg $0x0  }
0xae: {  	s5 =	sshll.u32 s28, $0x1;
	[dreg:$0x2] =	wrdreg s3  }
0xaf: {  	[dreg:$0x3] =	wrdreg s5  }
0xb0: {  	[dreg:$0x4] =	wrdreg $0xC0  }
0xb1: {  	_ =	task [dreg:s7], $0x5FFFF  }
0xb2: {  	[dreg:$0x1] =	wrdreg $0xFFFFFFFF  }
0xb3: {  	[dreg:$0x0] =	wrdreg $0x60  }
0xb4: {  	[dreg:$0x2] =	wrdreg s16  }
0xb5: {  	[dreg:$0x3] =	wrdreg s24  }
0xb6: {  	[dreg:$0x4] =	wrdreg $0x9  }
0xb7: {  	_ =	task.clear_ibuf [dreg:s7], $0x5FFFF;
	_ =	strace $0x90000046  }
0xb8: {  	s29 =	simm.s32 $0x9;
	_ =	strace $0x80000048  }
0xb9: {  	_ =	swait.ge [sflag:s29], $0x1  }
0xba: {  	[sflag:s29] =	ssyncadd.s32 $0xFFFFFFFF  }
0xbb: {  	_ =	strace $0x90000048  }
0xbc: {  	_ =	sfence  }
0xbd: {  	s30 =	sld [smem:$0x0];
	_ =	sdelay $0x2  }
0xbe: {  	s31 =	sshll.u32 s1, $0xD;
	s1 =	sshrl.u32 s1, $0x2  }
0xbf: {  	s3 =	sand.u32 $0x4000, s31;
	s1 =	sadd.s32 s1, s30  }
0xc0: {  	s0 =	sor.u32 s3, s0;
	s1 =	sshll.u32 s1, $0x11  }
0xc1: {  	s0 =	sor.u32 s1, s0  }
0xc2: {  	s0 =	sadd.s32 $0x8F2B, s0  }
0xc3: {  	[sflag:s0] =	ssyncadd.remote.s32 $0x1  }
0xc4: {  	_ =	sfence.sel $0xFFFF  }
0xc5: {  	[dreg:$0x0] =	wrdreg $0xFFFFFFFF;
	(pc) =	sbr.abs _section_cstart, $3  }
0xc6: {  	[dreg:$0x1] =	wrdreg $0xFFFFFFFF  }
0xc7: {  	_ =	task.clear_ibuf [dreg:s7], $0x2FFFF;
	_ =	strace $0x9FFFFFFF  }
0xc8: {  	(tm) =	ssettm $0x7FFFFFFF  }
0xc9: {  	_ =	shalt  }
tec
execute0_lowered:
.L_overlay_start_1:
0x0: {  	(tag) =	ssettag $0x1  }
0x1: {  	s1 =	srdreg.scid  }
0x2: {  	s0 =	stileid.u32;
	s14 =	sand.u32 $0x1, s1  }
0x3: {  	s2 =	rddreg [dreg:$0x0];
	s29 =	sshll.u32 s0, $0xA;
	s3 =	sshll.u32 s14, $0x9  }
0x4: {  	s15 =	rddreg [dreg:$0x1];
	s16 =	sor.u32 s3, s29  }
0x5: {  	s1 =	rddreg [dreg:$0x2];
	s3 =	simm.s32 $0x0;
	s4 =	sshrl.u32 s16, $0x3  }
0x6: {  	[smem:$0x7FF] =	sst s3;
	s4 =	sadd.s32 s4, s15  }
0x7: {  	_ =	strace $0x80000047;
	s5 =	sadd.s32 $0x2400, s4;
	s4 =	simm.s32 $0x2  }
0x8: {  	[tilespmem:s3], [sflag:$0x2] =	stream.linear.gather [hbm4b:s5+s3], $0x200, $0x38;
	[tilespmem:$0x8200] =	vst v63  }
0x9: {  	_ =	swait.ge [sflag:s4], $0x200  }
0xa: {  	[sflag:s4] =	ssyncset.done $0x0  }
0xb: {  	s6 =	simm.s32 $0x80;
	s7 =	simm.s32 $0x200;
	[sflag:s4] =	ssyncadd.s32 $0xFFFFFE00  }
0xc: {  	[tilespmem:s7], [sflag:$0x1] =	stream.indirect.gather [hbm4b:s2+s6], $0x40, s3, s6, $0xb8;
	[tilespmem:$0x8200] =	vst v63  }
0xd: {  	s8 =	simm.s32 $0x2200  }
0xe: {  	[tilespmem:s8], [sflag:$0x1] =	stream.indirect.gather [hbm4b:s2+s6], $0x40, s6, s6, $0xb8;
	[tilespmem:$0x8200] =	vst v63  }
0xf: {  	s9 =	simm.s32 $0x100;
	s10 =	simm.s32 $0x4200  }
0x10: {  	[tilespmem:s10], [sflag:$0x1] =	stream.indirect.gather [hbm4b:s2+s6], $0x40, s9, s6, $0xb8;
	[tilespmem:$0x8200] =	vst v63  }
0x11: {  	s11 =	simm.s32 $0x180;
	s12 =	simm.s32 $0x6200;
	s13 =	simm.s32 $0x1  }
0x12: {  	[tilespmem:s12], [sflag:$0x1] =	stream.indirect.gather [hbm4b:s2+s6], $0x40, s11, s6, $0xb8;
	[tilespmem:$0x8200] =	vst v63  }
0x13: {  	_ =	swait.ge [sflag:s13], $0x2000  }
0x14: {  	[sflag:s13] =	ssyncset.done $0x0  }
0x15: {  	[sflag:s13] =	ssyncadd.s32 $0xFFFFE000  }
0x16: {  	_ =	swait.ge [sflag:s13], $0x2000  }
0x17: {  	[sflag:s13] =	ssyncset.done $0x0  }
0x18: {  	s14 =	ssub.s32 $0x2, s14;
	[sflag:s13] =	ssyncadd.s32 $0xFFFFE000  }
0x19: {  	s17 =	sshrl.u32 s14, $0x1;
	_ =	swait.ge [sflag:s13], $0x2000  }
0x1a: {  	s30 =	ssub.s32 s14, s17;
	[sflag:s13] =	ssyncset.done $0x0  }
0x1b: {  	s31 =	smax.u32 s30, $0x1;
	[sflag:s13] =	ssyncadd.s32 $0xFFFFE000  }
0x1c: {  	s16 =	sshll.u32 s16, $0x3;
	p0 =	sne.s32 s31, $0x1;
	_ =	swait.ge [sflag:s13], $0x2000  }
.Ltmp0:
0x1d: {  	s15 =	sadd.s32 s16, s15;
	[sflag:s13] =	ssyncset.done $0x0;
	(pc) =	sbr.rel @!p0 .LBB2_2-.Ltmp0, $4  }
0x1e: {  	s14 =	sadd.s32 $0x2C00, s15;
	[sflag:s13] =	ssyncadd.s32 $0xFFFFE000  }
0x1f: {  	[hbm4b:s14+s3] =	stream.linear.scatter [tilespmem:s7], [sflag:$0x2], $0x8000, $0x38;
	[tilespmem:$0x8200] =	vst v63  }
0x20: {  	_ =	swait.ge [sflag:s4], $0x8000  }
0x21: {  	s15 =	sadd.s32 $0xFFFFFFFF, s31;
	[sflag:s4] =	ssyncset.done $0x0  }
.LBB2_1:
0x22: {  	p0 =	sne.s32 s15, $0x1;
	s15 =	sadd.s32 $0xFFFFFFFF, s15;
	[sflag:s4] =	ssyncadd.s32 $0xFFFF8000  }
0x23: {  	[tilespmem:s3], [sflag:$0x2] =	stream.linear.gather [hbm4b:s5+s3], $0x200, $0x38;
	[tilespmem:$0x8200] =	vst v63  }
0x24: {  	_ =	swait.ge [sflag:s4], $0x200  }
0x25: {  	[sflag:s4] =	ssyncset.done $0x0  }
0x26: {  	[sflag:s4] =	ssyncadd.s32 $0xFFFFFE00  }
0x27: {  	[tilespmem:s7], [sflag:$0x1] =	stream.indirect.gather [hbm4b:s2+s6], $0x40, s3, s6, $0xb8;
	[tilespmem:$0x8200] =	vst v63  }
0x28: {  	_ = 	snop  }
0x29: {  	[tilespmem:s8], [sflag:$0x1] =	stream.indirect.gather [hbm4b:s2+s6], $0x40, s6, s6, $0xb8;
	[tilespmem:$0x8200] =	vst v63  }
0x2a: {  	_ = 	snop  }
0x2b: {  	[tilespmem:s10], [sflag:$0x1] =	stream.indirect.gather [hbm4b:s2+s6], $0x40, s9, s6, $0xb8;
	[tilespmem:$0x8200] =	vst v63  }
0x2c: {  	_ = 	snop  }
0x2d: {  	[tilespmem:s12], [sflag:$0x1] =	stream.indirect.gather [hbm4b:s2+s6], $0x40, s11, s6, $0xb8;
	[tilespmem:$0x8200] =	vst v63  }
0x2e: {  	_ =	swait.ge [sflag:s13], $0x2000  }
0x2f: {  	[sflag:s13] =	ssyncset.done $0x0  }
0x30: {  	[sflag:s13] =	ssyncadd.s32 $0xFFFFE000  }
0x31: {  	_ =	swait.ge [sflag:s13], $0x2000  }
0x32: {  	[sflag:s13] =	ssyncset.done $0x0  }
0x33: {  	[sflag:s13] =	ssyncadd.s32 $0xFFFFE000  }
0x34: {  	_ =	swait.ge [sflag:s13], $0x2000  }
0x35: {  	[sflag:s13] =	ssyncset.done $0x0  }
0x36: {  	[sflag:s13] =	ssyncadd.s32 $0xFFFFE000  }
0x37: {  	_ =	swait.ge [sflag:s13], $0x2000  }
.Ltmp1:
0x38: {  	[sflag:s13] =	ssyncset.done $0x0;
	(pc) =	sbr.rel @p0 .LBB2_1-.Ltmp1, $4  }
0x39: {  	[sflag:s13] =	ssyncadd.s32 $0xFFFFE000  }
0x3a: {  	[hbm4b:s14+s3] =	stream.linear.scatter [tilespmem:s7], [sflag:$0x2], $0x8000, $0x38;
	[tilespmem:$0x8200] =	vst v63  }
0x3b: {  	_ =	swait.ge [sflag:s4], $0x8000  }
0x3c: {  	[sflag:s4] =	ssyncset.done $0x0  }
.LBB2_2:
0x3d: {  	[sflag:s4] =	ssyncadd.s32 $0xFFFF8000  }
0x3e: {  	_ =	sfence.sel $0x180000  }
0x3f: {  	[bflag:$0x0] =	sbarrier.arrive $0xFFFF  }
0x40: {  	p0 =	sne.s32 s0, $0x0;
	_ =	strace $0x90000047  }
0x41: {  	s0 =	sadd.s32 @!p0 $0x100000, s1;
	[bflag:$0x2] =	sbarrier.arrive $0xFFFF  }
0x42: {  	[sflag:s0] =	ssyncadd.tile.s32 @!p0 $0x1;
	_ =	shalt  }
.Lfunc_end2:
_tile_overlayer_lowered:
.L_overlay_start_2:
0x43: {  	(tag) =	ssettag $0x2  }
0x44: {  	s0 =	rddreg [dreg:$0x0];
	s2 =	stileid.u32  }
0x45: {  	s1 =	rddreg [dreg:$0x1];
	p0 =	sne.s32 s2, $0x0  }
0x46: {  	s3 =	rddreg [dreg:$0x2];
	[bflag:$0x3] =	sbarrier.arrive $0xFFFF;
	s2 =	simm.s32 @!p0 $0x1C02  }
0x47: {  	[timem:s3], [sflag:s2] =	dma.local @!p0 [hbm:s0], s1  }
0x48: {  	s0 =	simm.s32 @!p0 $0x2  }
0x49: {  	_ =	swait.ge @!p0 [sflag:s0], s1  }
0x4a: {  	s1 =	ssub.s32 @!p0 $0x0, s1;
	[sflag:s0] =	ssyncset.done @!p0 $0x0  }
0x4b: {  	[sflag:s0] =	ssyncadd.s32 @!p0 s1  }
0x4c: {  	[bflag:$0x3] =	sbarrier.arrive $0xFFFF  }
0x4d: {  	_ =	shalt  }

// kernel: kernel.8.cloned.1.call-start
scs
__scs_entry_jumppad:
0x0: {  	(pc) =	sbr.rel $0x88, $3  }
0x1: {  	(tag) =	ssettag $0x0;
	lr =	simm.s32 $0x1  }
0x2: {  	[smem:$0x3F98] =	sst lr;
	_ =	strace $0xD0000000  }
0x3: {  	_ = 	snop  }
0x4: {  	_ = 	snop  }
0x5: {  	_ = 	snop  }
0x6: {  	_ = 	snop  }
0x7: {  	_ = 	snop  }
__scs_overlays_trampoline_lowered:
0x8: {  	[smem:$0x3FA7] =	sst s0  }
0x9: {  	[smem:$0x3FA8] =	sst s1  }
0xa: {  	[smem:$0x3FA9] =	sst s2  }
0xb: {  	[smem:$0x3FAA] =	sst s3  }
0xc: {  	[smem:$0x3FAB] =	sst s4  }
0xd: {  	[smem:$0x3FAC] =	sst s5  }
0xe: {  	[smem:$0x3FAD] =	sst s6  }
0xf: {  	[smem:$0x3FAE] =	sst s7  }
0x10: {  	[smem:$0x3FAF] =	sst s8  }
0x11: {  	[smem:$0x3FB0] =	sst s9;
	s0 =	simm.s32 @!p0 $0x0  }
0x12: {  	s1 =	sld [smem:$0x3F96];
	s0 =	simm.s32 @p0 $0x1  }
0x13: {  	[smem:$0x3FB1] =	sst s0;
	s0 =	simm.s32 @!p1 $0x0  }
0x14: {  	s2 =	sld [smem:$0x3F95];
	s0 =	simm.s32 @p1 $0x1  }
0x15: {  	[smem:$0x3FB2] =	sst s0;
	s0 =	simm.s32 @!p2 $0x0  }
0x16: {  	s3 =	sld [smem:$0x3FDB];
	s0 =	simm.s32 @p2 $0x1  }
0x17: {  	s4 =	simm.s32 $0x1BF5;
	[smem:$0x3FB4] =	sst s0  }
0x18: {  	s0 =	sld [smem:$0x3F97];
	_ =	swait.ge [sflag:s4], $0x0  }
0x19: {  	s7 =	sld [smem:$0x3F98]  }
0x1a: {  	s8 =	sadd.s32 $0xFFFFE003, lr  }
0x1b: {  	s9 =	sadd.s32 $0xFFFFFEF7, lr;
	s5 =	simm.s32 $0xFFFFFFFF;
	p2 =	slt.u32 s8, $0xFFFFF086  }
0x1c: {  	p1 =	slt.u32 s9, $0xF7A;
	s5 =	simm.s32 @!p2 $0x0  }
0x1d: {  	s5 =	simm.s32 @p1 $0x1;
	p0 =	seq.s32 s7, s2  }
0x1e: {  	s7 =	smul.u32 @!p0 $0xF7A, s2;
	p2 =	seq.s32 @!p0 s5, $0x0  }
0x1f: {  	s9 =	smul.u32 $0xF7A, s1;
	s8 =	simm.s32 @!p0 $0x1BF5;
	p2 =	por !p2, p0  }
0x20: {  	[sflag:s8] =	ssyncset.s32 @!p0 $0xFFFFF086;
	s6 =	sadd.s32 @!p0 s3, s7;
	s7 =	simm.s32 @!p0 $0x108  }
0x21: {  	s3 =	sadd.s32 s3, s9;
	s6 =	sadd.s32 @!p0 $0x88, s6;
	s7 =	simm.s32 @p2 $0x1082  }
0x22: {  	[simem:s7], [sflag:s8] =	dma.local @!p0 [hbm:s6], $0xF7A  }
0x23: {  	s9 =	sor.u32 $0xD0000000, s2;
	s6 =	simm.s32 $0x108;
	_ =	swait.ge @!p0 [sflag:s8], $0x0  }
0x24: {  	s3 =	sadd.s32 $0x88, s3;
	s6 =	simm.s32 @!p1 $0x1082;
	[sflag:s4] =	ssyncset.s32 $0xFFFFF086  }
0x25: {  	[simem:s6], [sflag:s4] =	dma.local [hbm:s3], $0xF7A  }
0x26: {  	[smem:$0x3F98] =	sst s1;
	(tag) =	ssettag s2;
	_ =	strace s9  }
0x27: {  	s1 =	sld [smem:$0x3FA8]  }
0x28: {  	s2 =	sld [smem:$0x3FA9]  }
0x29: {  	s4 =	sld [smem:$0x3FAB]  }
0x2a: {  	p0 =	seq.s32 s5, $0x0;
	s5 =	sld [smem:$0x3FAC]  }
0x2b: {  	s6 =	sld [smem:$0x3FAD]  }
0x2c: {  	s7 =	sld [smem:$0x3FAE]  }
0x2d: {  	s3 =	simm.s32 $0x108;
	s8 =	sld [smem:$0x3FAF]  }
0x2e: {  	s3 =	simm.s32 @!p0 $0x1082;
	s9 =	sld [smem:$0x3FB0]  }
0x2f: {  	lr =	sadd.s32 s0, s3;
	s0 =	sld [smem:$0x3FA7]  }
0x30: {  	s3 =	sld [smem:$0x3FAA]  }
0x31: {  	[smem:$0x3FB3] =	sst s10  }
0x32: {  	s10 =	sld [smem:$0x3FB1];
	_ =	sdelay $0x3  }
0x33: {  	p0 =	seq.s32 s10, $0x1;
	s10 =	sld [smem:$0x3FB3];
	_ =	sdelay $0x3  }
0x34: {  	[smem:$0x3FB3] =	sst s10  }
0x35: {  	s10 =	sld [smem:$0x3FB2];
	_ =	sdelay $0x3  }
0x36: {  	p1 =	seq.s32 s10, $0x1;
	s10 =	sld [smem:$0x3FB3];
	_ =	sdelay $0x3  }
0x37: {  	[smem:$0x3FB3] =	sst s10  }
0x38: {  	s10 =	sld [smem:$0x3FB4]  }
0x39: {  	_ = 	snop;
	(pc) =	sbr.ind lr, $3  }
0x3a: {  	_ = 	snop  }
0x3b: {  	_ = 	snop  }
0x3c: {  	p2 =	seq.s32 s10, $0x1;
	s10 =	sld [smem:$0x3FB3]  }
0x3d: {  	_ =	shalt  }
0x3e: {  	_ =	shalt  }
0x3f: {  	_ =	shalt  }
0x40: {  	_ =	shalt  }
0x41: {  	_ =	shalt  }
0x42: {  	_ =	shalt  }
0x43: {  	_ =	shalt  }
0x44: {  	_ =	shalt  }
0x45: {  	_ =	shalt  }
0x46: {  	_ =	shalt  }
0x47: {  	_ =	shalt  }
0x48: {  	_ =	shalt  }
0x49: {  	_ =	shalt  }
0x4a: {  	_ =	shalt  }
0x4b: {  	_ =	shalt  }
0x4c: {  	_ =	shalt  }
0x4d: {  	_ =	shalt  }
0x4e: {  	_ =	shalt  }
0x4f: {  	_ =	shalt  }
0x50: {  	_ =	shalt  }
0x51: {  	_ =	shalt  }
0x52: {  	_ =	shalt  }
0x53: {  	_ =	shalt  }
0x54: {  	_ =	shalt  }
0x55: {  	_ =	shalt  }
0x56: {  	_ =	shalt  }
0x57: {  	_ =	shalt  }
0x58: {  	_ =	shalt  }
0x59: {  	_ =	shalt  }
0x5a: {  	_ =	shalt  }
0x5b: {  	_ =	shalt  }
0x5c: {  	_ =	shalt  }
0x5d: {  	_ =	shalt  }
0x5e: {  	_ =	shalt  }
0x5f: {  	_ =	shalt  }
0x60: {  	_ =	shalt  }
0x61: {  	_ =	shalt  }
0x62: {  	_ =	shalt  }
0x63: {  	_ =	shalt  }
0x64: {  	_ =	shalt  }
0x65: {  	_ =	shalt  }
0x66: {  	_ =	shalt  }
0x67: {  	_ =	shalt  }
0x68: {  	_ =	shalt  }
0x69: {  	_ =	shalt  }
0x6a: {  	_ =	shalt  }
0x6b: {  	_ =	shalt  }
0x6c: {  	_ =	shalt  }
0x6d: {  	_ =	shalt  }
0x6e: {  	_ =	shalt  }
0x6f: {  	_ =	shalt  }
0x70: {  	_ =	shalt  }
0x71: {  	_ =	shalt  }
0x72: {  	_ =	shalt  }
0x73: {  	_ =	shalt  }
0x74: {  	_ =	shalt  }
0x75: {  	_ =	shalt  }
0x76: {  	_ =	shalt  }
0x77: {  	_ =	shalt  }
0x78: {  	_ =	shalt  }
0x79: {  	_ =	shalt  }
0x7a: {  	_ =	shalt  }
0x7b: {  	_ =	shalt  }
0x7c: {  	_ =	shalt  }
0x7d: {  	_ =	shalt  }
0x7e: {  	_ =	shalt  }
0x7f: {  	_ =	shalt  }
0x80: {  	_ =	shalt  }
0x81: {  	_ =	shalt  }
0x82: {  	_ =	shalt  }
0x83: {  	_ =	shalt  }
0x84: {  	_ =	shalt  }
0x85: {  	_ =	shalt  }
0x86: {  	_ =	shalt  }
0x87: {  	_ =	shalt  }
.Lfunc_end0:
.L_simem_size_0:
called_computation.2_lowered:
.L_overlay_start_0:
0x88: {  	s2 =	sld [smem:$0x3FD9]  }
0x89: {  	s3 =	sld [smem:$0x3FFE];
	_ =	sdelay $0x1  }
0x8a: {  	s1 =	srdreg.scid  }
0x8b: {  	s0 =	sand.u32 $0x1, s1  }
0x8c: {  	s14 =	sshll.u32 s0, $0xA;
	s2 =	sadd.s32 s3, s2  }
0x8d: {  	s2 =	sadd.s32 s2, s14  }
0x8e: {  	[smem:$0x3FBF] =	sst s2  }
0x8f: {  	_ = 	snop  }
0x90: {  	s2 =	sld [smem:$0x3FD0];
	_ =	sdelay $0x2  }
0x91: {  	s4 =	simm.s32 $0xA;
	s5 =	simm.s32 $0x10;
	s15 =	sld [smem:$0x3FC7]  }
0x92: {  	[smem:s5], [sflag:s4] =	dma.local [hbm:s2], $0x1  }
0x93: {  	_ =	swait.eq [sflag:s4], $0x1  }
0x94: {  	[sflag:s4] =	ssyncset.done $0x0  }
0x95: {  	s16 =	sld [smem:$0x10];
	[sflag:s4] =	ssyncadd.s32 $0xFFFFFFFF  }
0x96: {  	s17 =	sld [smem:$0x11];
	(tm) =	ssettm $0x1  }
0x97: {  	s18 =	sld [smem:$0x3FFB];
	_ =	sdelay $0x3  }
0x98: {  	_ =	strace s18  }
0x99: {  	s5 =	sld [smem:$0x3FFC];
	_ =	sdelay $0x3  }
0x9a: {  	_ =	strace s5  }
0x9b: {  	s5 =	sld [smem:$0x3FFD];
	_ =	sdelay $0x3  }
0x9c: {  	_ =	strace s5  }
0x9d: {  	_ =	strace $0x8FFFFFFF  }
0x9e: {  	s19 =	sld [smem:$0x3FDB];
	_ =	sdelay $0x1  }
0x9f: {  	s6 =	simm.s32 $_scs_section_size  }
0xa0: {  	s7 =	simm.s32 $_size__tile_overlayer_lowered;
	s8 =	simm.s32 $_tile_overlayer_lowered  }
0xa1: {  	s22 =	simm.s32 $0x1BFF;
	s21 =	sshll.u32 s8, $0x1;
	s5 =	sadd.s32 s6, s19  }
0xa2: {  	s9 =	simm.s32 $0x0;
	s20 =	sshll.u32 s7, $0x1;
	s7 =	sadd.s32 s21, s5  }
0xa3: {  	[timem:s9], [sflag:s22] =	dma.local [hbm:s7], s20  }
0xa4: {  	_ =	swait.ge [sflag:s22], s20  }
0xa5: {  	s6 =	ssub.s32 $0x0, s20;
	[sflag:s22] =	ssyncset.done $0x0  }
0xa6: {  	[sflag:s22] =	ssyncadd.s32 s6;
	_ =	sdelay $0x1  }
0xa7: {  	s23 =	simm.s32 $0x1B8B  }
0xa8: {  	_ =	swait.ge [sflag:s23], $0x1  }
0xa9: {  	[sflag:s23] =	ssyncset.done $0x0  }
0xaa: {  	s25 =	simm.s32 $0x1B8E;
	s24 =	sld [smem:$0x3FFE];
	[sflag:s23] =	ssyncadd.s32 $0xFFFFFFFF  }
0xab: {  	s26 =	simm.s32 $execute0_lowered;
	[smem:$0x3FD2] =	sst s25  }
0xac: {  	s7 =	sshll.u32 s26, $0x1;
	_ =	strace $0x80000049;
	[dreg:$0x1] =	wrdreg $0xFFFFFFFF  }
0xad: {  	s28 =	simm.s32 $_size_execute0_lowered;
	s5 =	sadd.s32 s5, s7;
	[dreg:$0x0] =	wrdreg $0x0  }
0xae: {  	s7 =	sshll.u32 s28, $0x1;
	[dreg:$0x2] =	wrdreg s5  }
0xaf: {  	[dreg:$0x3] =	wrdreg s7  }
0xb0: {  	[dreg:$0x4] =	wrdreg $0xC0  }
0xb1: {  	_ =	task [dreg:s9], $0x5FFFF  }
0xb2: {  	[dreg:$0x1] =	wrdreg $0xFFFFFFFF  }
0xb3: {  	[dreg:$0x0] =	wrdreg $0x60  }
0xb4: {  	[dreg:$0x2] =	wrdreg s16  }
0xb5: {  	[dreg:$0x3] =	wrdreg s17  }
0xb6: {  	[dreg:$0x4] =	wrdreg s24  }
0xb7: {  	[dreg:$0x5] =	wrdreg s15  }
0xb8: {  	[dreg:$0x6] =	wrdreg $0x9  }
0xb9: {  	_ =	task.clear_ibuf [dreg:s9], $0x7FFFF;
	_ =	strace $0x90000049  }
0xba: {  	s29 =	simm.s32 $0x9;
	_ =	strace $0x8000004B  }
0xbb: {  	_ =	swait.ge [sflag:s29], $0x1  }
0xbc: {  	[sflag:s29] =	ssyncadd.s32 $0xFFFFFFFF  }
0xbd: {  	_ =	strace $0x9000004B  }
0xbe: {  	_ =	sfence  }
0xbf: {  	s30 =	sld [smem:$0x0];
	_ =	sdelay $0x2  }
0xc0: {  	s31 =	sshll.u32 s1, $0xD;
	s1 =	sshrl.u32 s1, $0x2  }
0xc1: {  	s3 =	sand.u32 $0x4000, s31;
	s1 =	sadd.s32 s1, s30  }
0xc2: {  	s0 =	sor.u32 s3, s0;
	s1 =	sshll.u32 s1, $0x11  }
0xc3: {  	s0 =	sor.u32 s1, s0  }
0xc4: {  	s0 =	sadd.s32 $0x8F2B, s0  }
0xc5: {  	[sflag:s0] =	ssyncadd.remote.s32 $0x1  }
0xc6: {  	_ =	sfence.sel $0xFFFF  }
0xc7: {  	[dreg:$0x0] =	wrdreg $0xFFFFFFFF;
	(pc) =	sbr.abs _section_cstart, $3  }
0xc8: {  	[dreg:$0x1] =	wrdreg $0xFFFFFFFF  }
0xc9: {  	_ =	task.clear_ibuf [dreg:s9], $0x2FFFF;
	_ =	strace $0x9FFFFFFF  }
0xca: {  	(tm) =	ssettm $0x7FFFFFFF  }
0xcb: {  	_ =	shalt  }
tec
execute0_lowered:
.L_overlay_start_1:
0x0: {  	(tag) =	ssettag $0x1  }
0x1: {  	s0 =	srdreg.scid;
	s2 =	rddreg [dreg:$0x1]  }
0x2: {  	s6 =	rddreg [dreg:$0x2];
	s8 =	simm.s32 $0x0;
	s9 =	simm.s32 $0x3  }
0x3: {  	s10 =	simm.s32 $0x4000;
	s11 =	simm.s32 $0x4800;
	s12 =	simm.s32 $0x1  }
0x4: {  	v2 =	vlaneseq.u32;
	vm0 =	vmmov $0x1;
	vm7 =	vcmask $0x704;
	s13 =	simm.s32 $0x5000;
	s14 =	simm.s32 $0x80;
	s15 =	simm.s32 $0xCA18  }
0x5: {  	vm8 =	vcmask $0xB08;
	vm9 =	vcmask $0xF0C;
	vm10 =	vcmask $0x1310;
	s16 =	simm.s32 $0xCA98;
	s17 =	simm.s32 $0xEA98;
	s3 =	sand.u32 $0x1, s0  }
0x6: {  	vm11 =	vcmask $0x1714;
	vm12 =	vcmask $0x1B18;
	vm13 =	vcmask $0x1F1C;
	s18 =	simm.s32 $0x2;
	s0 =	stileid.u32;
	s1 =	sshll.u32 s3, $0x4  }
.Ltmp0:
0x7: {  	vm14 =	vcmask $0x2320;
	vm15 =	vcmask $0x2724;
	vm4 =	vcmask $0x3F3C;
	s31 =	ssub.s32 $0x2, s3;
	s1 =	sor.u32 s0, s1;
	(pc) =	sbr.rel .LBB2_1-.Ltmp0, $4  }
0x8: {  	v11 =	vimm.s32 $0x0;
	v4 =	vor.u32 $0x10, v2;
	v5 =	vor.u32 $0x20, v2;
	s3 =	rddreg [dreg:$0x4];
	s7 =	sshrl.u32 s31, $0x1;
	s4 =	smul.u32 $0x7A12, s1  }
0x9: {  	s19 =	simm.s32 $0x0;
	v6 =	vor.u32 $0x30, v2;
	v7 =	vor.u32 $0x40, v2;
	v8 =	vor.u32 $0x50, v2;
	s1 =	rddreg [dreg:$0x0];
	s7 =	ssub.s32 s31, s7  }
0xa: {  	v9 =	vor.u32 $0x60, v2;
	v11 =	vsel vm0, $0xFFFFFFFF, v11;
	s7 =	smax.u32 s7, $0x1;
	s5 =	sadd.s32 $0x7A12, s4;
	v0 =	vmov s4;
	s4 =	rddreg [dreg:$0x3]  }
0xb: {  	v3 =	vimm.s32 $0x0;
	v10 =	vor.u32 $0x70, v2;
	_ =	strace $0x8000004A;
	[tilespmem:$0x1FFF0] =	vst v11;
	v1 =	vmov s5;
	s5 =	sadd.s32 $0x2400, s6;
	s6 =	sadd.s32 $0x2C00, s6  }
.LBB2_11:
0xc: {  	s19 =	sadd.s32 $0x1, s19  }
0xd: {  	p0 =	sne.s32 s19, s7  }
.Ltmp1:
0xe: {  	_ = 	snop;
	(pc) =	sbr.rel @!p0 .LBB2_12-.Ltmp1, $1  }
0xf: {  	_ =	sdelay $0x3  }
.LBB2_1:
0x10: {  	[tilespmem:s8], [sflag:$0x3] =	stream.linear.gather [hbm4b:s5+s8], $0x4000, $0x38;
	[tilespmem:$0xEB18] =	vst v63  }
0x11: {  	_ =	swait.ge [sflag:s9], $0x4000  }
0x12: {  	[sflag:s9] =	ssyncset.done $0x0  }
0x13: {  	[sflag:s9] =	ssyncadd.s32 $0xFFFFC000  }
0x14: {  	v11 =	vld [tilespmem:s8+$0x0]  }
0x15: {  	s21 =	simm.s32 $0x10;
	v13 =	vimm.s32 $0x0;
	v12 =	vimm.s32 $0x0;
	s20 =	simm.s32 $0x0;
	s22 =	simm.s32 $0x0  }
.LBB2_2:
0x16: {  	p0 =	sne.s32 s21, $0x3FF0;
	_ =	sdelay $0x2  }
0x17: {  	vm1 =	vge.s32 v11, v0;
	vm2 =	vlt.s32 v11, v1  }
0x18: {  	vm1 =	vmand vm1, vm2  }
0x19: {  	v14 =	vsel vm1, $0x1, v3;
	v15 =	vmpcnt.ones.xlane vm1  }
0x1a: {  	(xrf0) =	vadd.scan.msk.s32 $0xffff, v14  }
0x1b: {  	v13 =	vadd.s32 v13, v15;
	_ =	sdelay $0x4  }
0x1c: {  	v14, _, _ =	vpop (xrf0)  }
0x1d: {  	v14 =	vadd.s32 v14, v12;
	v12 =	vmov v13  }
0x1e: {  	v14 =	vadd.s32 $0xFFFFFFFF, v14  }
0x1f: {  	vm2 =	vlt.s32 v14, $0x7FF  }
0x20: {  	v14 =	vnsel vm2, $0x7FF, v14;
	_ =	sdelay $0x3  }
.Ltmp2:
0x21: {  	(pc) =	sbr.rel @p0 .LBB2_2-.Ltmp2, $4  }
0x22: {  	[tilespmem:v14+s10+$0x0] =	vst.idx.msk vm1, v11;
	v11 =	vor.u32 s20, v2;
	s20 =	smov.u32 s21  }
0x23: {  	s22 =	sadd.s32 $0x10, s22;
	[tilespmem:v14+s11+$0x0] =	vst.idx.msk vm1, v11  }
0x24: {  	v11 =	vld [tilespmem:s22+$0x0]  }
0x25: {  	s21 =	sadd.s32 $0x10, s21  }
0x26: {  	_ =	sdelay $0x2  }
0x27: {  	vm1 =	vge.s32 v11, v0;
	vm2 =	vlt.s32 v11, v1  }
0x28: {  	vm1 =	vmand vm1, vm2  }
0x29: {  	v14 =	vmpcnt.ones.xlane vm1;
	_ =	sdelay $0x1  }
0x2a: {  	v15 =	vsel vm1, $0x1, v3;
	v13 =	vadd.s32 v13, v14  }
0x2b: {  	(xrf0) =	vadd.scan.msk.s32 $0xffff, v15;
	v13 =	vxor.u32 $0x80000000, v13  }
0x2c: {  	(xrf0) =	vmax.scan.msk.u32 $0xffff, v13;
	_ =	sdelay $0x4  }
0x2d: {  	v61, _, _ =	vpop (xrf0)  }
0x2e: {  	v62, _, _ =	vpop (xrf0)  }
0x2f: {  	(v2sf) =	vpush v62, $0xF;
	_ =	sdelay $0xe  }
0x30: {  	s21 =	spop (v2sf)  }
0x31: {  	s22 =	sxor.u32 $0x80000000, s21  }
0x32: {  	p0 =	slt.s32 s22, $0x800;
	s21 =	smov.u32 s22  }
0x33: {  	s21 =	simm.s32 @!p0 $0x800  }
0x34: {  	s23 =	sadd.s32 $0x7F, s21  }
0x35: {  	v12 =	vadd.s32 v61, v12;
	s24 =	sand.u32 $0x7F, s23  }
0x36: {  	v12 =	vadd.s32 $0xFFFFFFFF, v12;
	p1 =	slt.s32 s22, $0xFFFFFF82;
	s30 =	sshra.s32 s23, $0x1F;
	p6 =	sne.s32 s24, $0x0  }
0x37: {  	vm2 =	vlt.s32 v12, $0x7FF;
	s24 =	sshrl.u32 s30, $0x19;
	p0 =	por !p1, !p6  }
0x38: {  	v12 =	vnsel vm2, $0x7FF, v12;
	s23 =	sadd.s32 s24, s23;
	s24 =	simm.s32 $0x1;
	p0 =	por !p0, !p0  }
0x39: {  	s24 =	simm.s32 @!p0 $0x0;
	p0 =	slt.s32 s22, $0x1  }
.Ltmp3:
0x3a: {  	_ = 	snop;
	(pc) =	sbr.rel @p0 .LBB2_9-.Ltmp3, $3  }
0x3b: {  	_ =	sdelay $0x1  }
0x3c: {  	v63 =	vor.u32 s20, v2;
	[tilespmem:v12+s10+$0x0] =	vst.idx.msk vm1, v11;
	s31 =	sshra.s32 s23, $0x7  }
0x3d: {  	[tilespmem:v12+s11+$0x0] =	vst.idx.msk vm1, v63;
	s20 =	ssub.s32 s31, s24  }
0x3e: {  	s22 =	sadd.s32 $0xF, s21  }
0x3f: {  	s24 =	sshrl.u32 s22, $0x4  }
0x40: {  	p0 =	seq.s32 s24, $0x0  }
.Ltmp4:
0x41: {  	_ = 	snop;
	(pc) =	sbr.rel @p0 .LBB2_8-.Ltmp4, $2  }
0x42: {  	_ =	sdelay $0x2  }
0x43: {  	v11 =	vmov s21  }
0x44: {  	s22 =	simm.s32 $0x0  }
0x45: {  	v13 =	vor.u32 s22, v2  }
0x46: {  	s21 =	simm.s32 $0x4000;
	vm1 =	vlt.s32 v13, v11  }
0x47: {  	v14 =	vimm.s32 $0x0;
	v12 =	vld [tilespmem:s21+$0x0];
	vm3 =	vmand vm1, vm8  }
0x48: {  	v14 =	vsel vm3, $0xFFFFFFFF, v14  }
0x49: {  	vm3 =	vmand vm1, vm9;
	[tilespmem:$0x1FF80] =	vst v14;
	v14 =	vimm.s32 $0x0  }
0x4a: {  	v14 =	vsel vm3, $0xFFFFFFFF, v14  }
0x4b: {  	s23 =	simm.s32 $0x4800;
	vm5 =	vmand vm1, vm0;
	vm3 =	vmand vm1, vm10;
	[tilespmem:$0x1FF90] =	vst v14;
	v14 =	vimm.s32 $0x0  }
0x4c: {  	v13 =	vld [tilespmem:s23+$0x0];
	vm2 =	vmand vm1, vm7;
	v12 =	vsub.s32 v12, v0;
	v14 =	vsel vm3, $0xFFFFFFFF, v14  }
0x4d: {  	[tilespmem:$0x1FFA0] =	vst v14;
	v14 =	vld [tilespmem:$0x1FF80];
	_ =	sdelay $0x3  }
0x4e: {  	[tilespmem:v12+s13+$0x0] =	vst.idx.msk vm5, v13  }
0x4f: {  	[tilespmem:v12+s13+$0x0] =	vst.idx.msk vm2, v13;
	vm2 =	vnez.u8 v14;
	_ =	sdelay $0x5  }
0x50: {  	v14 =	vimm.s32 $0x0;
	[tilespmem:v12+s13+$0x0] =	vst.idx.msk vm2, v13;
	vm2 =	vmand vm1, vm14  }
0x51: {  	v14 =	vsel vm2, $0xFFFFFFFF, v14  }
0x52: {  	[tilespmem:$0x1FFB0] =	vst v14;
	v14 =	vld [tilespmem:$0x1FF90];
	_ =	sdelay $0x4  }
0x53: {  	vm2 =	vnez.u8 v14;
	_ =	sdelay $0x5  }
0x54: {  	v14 =	vimm.s32 $0x0;
	[tilespmem:v12+s13+$0x0] =	vst.idx.msk vm2, v13;
	vm2 =	vmand vm1, vm15  }
0x55: {  	v14 =	vsel vm2, $0xFFFFFFFF, v14  }
0x56: {  	[tilespmem:$0x1FFC0] =	vst v14;
	v14 =	vld [tilespmem:$0x1FFA0];
	_ =	sdelay $0x4  }
0x57: {  	vm2 =	vnez.u8 v14;
	_ =	sdelay $0x5  }
0x58: {  	[tilespmem:v12+s13+$0x0] =	vst.idx.msk vm2, v13;
	vm2 =	vcmask $0x2B28  }
0x59: {  	v14 =	vimm.s32 $0x0;
	vm2 =	vmand vm1, vm2  }
0x5a: {  	v14 =	vsel vm2, $0xFFFFFFFF, v14;
	vm2 =	vcmask $0x2F2C  }
0x5b: {  	[tilespmem:$0x1FFD0] =	vst v14;
	vm2 =	vmand vm1, vm2;
	v14 =	vimm.s32 $0x0  }
0x5c: {  	vm3 =	vmand vm1, vm11;
	v14 =	vsel vm2, $0xFFFFFFFF, v14  }
0x5d: {  	[tilespmem:$0x1FFE0] =	vst v14;
	v14 =	vld [tilespmem:$0x1FFB0];
	_ =	sdelay $0x2  }
0x5e: {  	vm5 =	vmand vm1, vm12  }
0x5f: {  	vm6 =	vmand vm1, vm13  }
0x60: {  	[tilespmem:v12+s13+$0x0] =	vst.idx.msk vm3, v13;
	vm3 =	vnez.u8 v14;
	_ =	sdelay $0x1  }
0x61: {  	v14 =	vld [tilespmem:$0x1FFC0];
	_ =	sdelay $0x1  }
0x62: {  	[tilespmem:v12+s13+$0x0] =	vst.idx.msk vm5, v13  }
0x63: {  	[tilespmem:v12+s13+$0x0] =	vst.idx.msk vm6, v13  }
0x64: {  	[tilespmem:v12+s13+$0x0] =	vst.idx.msk vm3, v13;
	vm3 =	vcmask $0x3B38  }
0x65: {  	vm6 =	vmand vm1, vm3;
	vm3 =	vnez.u8 v14  }
0x66: {  	v14 =	vld [tilespmem:$0x1FFD0];
	_ =	sdelay $0x4  }
0x67: {  	[tilespmem:v12+s13+$0x0] =	vst.idx.msk vm3, v13;
	vm3 =	vnez.u8 v14  }
0x68: {  	v14 =	vld [tilespmem:$0x1FFE0];
	_ =	sdelay $0x4  }
0x69: {  	vm2 =	vcmask $0x3330;
	[tilespmem:v12+s13+$0x0] =	vst.idx.msk vm3, v13;
	vm3 =	vnez.u8 v14  }
0x6a: {  	vm5 =	vmand vm1, vm2;
	vm2 =	vcmask $0x3734  }
0x6b: {  	vm2 =	vmand vm1, vm2;
	_ =	sdelay $0x1  }
0x6c: {  	p0 =	sne.s32 s24, $0x1  }
.Ltmp5:
0x6d: {  	_ = 	snop;
	(pc) =	sbr.rel @!p0 .LBB2_7-.Ltmp5, $4  }
0x6e: {  	[tilespmem:v12+s13+$0x0] =	vst.idx.msk vm3, v13  }
0x6f: {  	[tilespmem:v12+s13+$0x0] =	vst.idx.msk vm5, v13  }
0x70: {  	vm0 =	vmmov vm15;
	vm15 =	vmmov vm14;
	vm1 =	vmand vm1, vm4;
	[tilespmem:v12+s13+$0x0] =	vst.idx.msk vm2, v13  }
0x71: {  	s24 =	sadd.s32 $0xFFFFFFFF, s24;
	vm14 =	vmmov vm13;
	vm13 =	vmmov vm12;
	vm12 =	vmmov vm11;
	[tilespmem:v12+s13+$0x0] =	vst.idx.msk vm6, v13  }
.LBB2_6:
0x72: {  	_ =	sdelay $0x2  }
0x73: {  	s22 =	sadd.s32 $0x10, s22  }
0x74: {  	[tilespmem:v12+s13+$0x0] =	vst.idx.msk vm1, v13;
	v13 =	vor.u32 s22, v2  }
0x75: {  	vm1 =	vlt.s32 v13, v11;
	v13 =	vld [tilespmem:$0x1FFF0]  }
0x76: {  	s21 =	sadd.s32 $0x10, s21  }
0x77: {  	v12 =	vld [tilespmem:s21+$0x0];
	_ =	sdelay $0x2  }
0x78: {  	vm2 =	vnez.u8 v13  }
0x79: {  	s23 =	sadd.s32 $0x10, s23;
	vm2 =	vmand vm1, vm2  }
0x7a: {  	vm3 =	vmand vm1, vm7;
	v12 =	vsub.s32 v12, v0;
	v13 =	vld [tilespmem:s23+$0x0]  }
0x7b: {  	vm4 =	vmand vm1, vm8  }
0x7c: {  	vm5 =	vmand vm1, vm9  }
0x7d: {  	vm11 =	vmmov vm10;
	vm6 =	vmand vm1, vm10;
	vm10 =	vmmov vm9  }
0x7e: {  	vm9 =	vmmov vm8;
	vm8 =	vmmov vm7;
	vm7 =	vmand vm1, vm12  }
0x7f: {  	[tilespmem:v12+s13+$0x0] =	vst.idx.msk vm2, v13;
	vm2 =	vmand vm1, vm13  }
0x80: {  	[tilespmem:v12+s13+$0x0] =	vst.idx.msk vm3, v13;
	vm3 =	vmand vm1, vm14  }
0x81: {  	[tilespmem:v12+s13+$0x0] =	vst.idx.msk vm4, v13;
	vm4 =	vmand vm1, vm15  }
0x82: {  	[tilespmem:v12+s13+$0x0] =	vst.idx.msk vm5, v13  }
0x83: {  	vm5 =	vmand vm1, vm0;
	[tilespmem:v12+s13+$0x0] =	vst.idx.msk vm6, v13;
	vm6 =	vcmask $0x2B28  }
0x84: {  	vm6 =	vmand vm1, vm6;
	[tilespmem:v12+s13+$0x0] =	vst.idx.msk vm7, v13;
	vm7 =	vcmask $0x2F2C  }
0x85: {  	vm7 =	vmand vm1, vm7;
	[tilespmem:v12+s13+$0x0] =	vst.idx.msk vm2, v13;
	vm2 =	vcmask $0x3330  }
0x86: {  	vm2 =	vmand vm1, vm2;
	[tilespmem:v12+s13+$0x0] =	vst.idx.msk vm3, v13;
	vm3 =	vcmask $0x3734  }
0x87: {  	vm3 =	vmand vm1, vm3;
	[tilespmem:v12+s13+$0x0] =	vst.idx.msk vm4, v13;
	vm4 =	vcmask $0x3B38  }
0x88: {  	vm4 =	vmand vm1, vm4  }
0x89: {  	p0 =	sne.s32 s24, $0x1;
	[tilespmem:v12+s13+$0x0] =	vst.idx.msk vm5, v13  }
.Ltmp6:
0x8a: {  	[tilespmem:v12+s13+$0x0] =	vst.idx.msk vm6, v13;
	(pc) =	sbr.rel @p0 .LBB2_6-.Ltmp6, $4  }
0x8b: {  	[tilespmem:v12+s13+$0x0] =	vst.idx.msk vm7, v13  }
0x8c: {  	vm5 =	vcmask $0x3F3C;
	[tilespmem:v12+s13+$0x0] =	vst.idx.msk vm2, v13  }
0x8d: {  	vm1 =	vmand vm1, vm5;
	vm7 =	vmmov vm8;
	[tilespmem:v12+s13+$0x0] =	vst.idx.msk vm3, v13  }
0x8e: {  	s24 =	sadd.s32 $0xFFFFFFFF, s24;
	vm8 =	vmmov vm9;
	vm9 =	vmmov vm10;
	vm10 =	vmmov vm11;
	[tilespmem:v12+s13+$0x0] =	vst.idx.msk vm4, v13  }
.LBB2_7:
0x8f: {  	v63 =	vld [tilespmem:$0x1FFF0];
	_ =	sdelay $0x3  }
0x90: {  	vm11 =	vmmov vm12;
	vm12 =	vmmov vm13;
	vm13 =	vmmov vm14  }
0x91: {  	[tilespmem:v12+s13+$0x0] =	vst.idx.msk vm1, v13;
	vm14 =	vmmov vm15;
	vm15 =	vmmov vm0;
	vm0 =	vnez.u8 v63  }
.LBB2_8:
0x92: {  	s21 =	sshll.u32 s20, $0x7  }
0x93: {  	s22 =	sadd.s32 $0xFFFFFF80, s21  }
0x94: {  	s23 =	sadd.s32 $0xFFFFFF90, s21;
	v12 =	vor.u32 s22, v2  }
0x95: {  	s26 =	sadd.s32 $0xFFFFFFA0, s21;
	v13 =	vor.u32 s23, v2;
	vm1 =	vge.s32 v12, v11  }
0x96: {  	v14 =	vld.msk [tilespmem:$0x4000 ss:$0x0], $0xffff;
	s28 =	sadd.s32 $0xFFFFFFB0, s21;
	v56 =	vor.u32 s26, v2;
	vm2 =	vge.s32 v13, v11  }
0x97: {  	s29 =	sadd.s32 $0xFFFFFFC0, s21;
	v15 =	vor.u32 s22, v4;
	v57 =	vor.u32 s28, v2;
	vm3 =	vge.s32 v56, v11  }
0x98: {  	s30 =	sadd.s32 $0xFFFFFFD0, s21;
	v16 =	vor.u32 s22, v5;
	v58 =	vor.u32 s29, v2;
	vm4 =	vge.s32 v57, v11  }
0x99: {  	s31 =	sadd.s32 $0xFFFFFFE0, s21;
	v17 =	vor.u32 s22, v6;
	v59 =	vor.u32 s30, v2;
	vm5 =	vge.s32 v58, v11  }
0x9a: {  	s21 =	sadd.s32 $0xFFFFFFF0, s21;
	v18 =	vor.u32 s22, v7;
	v60 =	vor.u32 s31, v2;
	vm6 =	vge.s32 v59, v11  }
0x9b: {  	v61 =	vor.u32 s22, v8;
	v62 =	vor.u32 s21, v2;
	[tilespmem:v12+s10+$0x0] =	vst.idx.msk vm1, v14;
	vm1 =	vge.s32 v60, v11  }
0x9c: {  	[tilespmem:v15+s10+$0x0] =	vst.idx.msk vm2, v14;
	vm2 =	vge.s32 v62, v11;
	v11 =	vor.u32 s22, v9  }
0x9d: {  	v63 =	vor.u32 s22, v10;
	[tilespmem:v16+s10+$0x0] =	vst.idx.msk vm3, v14  }
0x9e: {  	[tilespmem:v17+s10+$0x0] =	vst.idx.msk vm4, v14  }
0x9f: {  	[tilespmem:v18+s10+$0x0] =	vst.idx.msk vm5, v14  }
0xa0: {  	[tilespmem:v61+s10+$0x0] =	vst.idx.msk vm6, v14  }
0xa1: {  	[tilespmem:v11+s10+$0x0] =	vst.idx.msk vm1, v14  }
0xa2: {  	vm4 =	vcmask $0x3F3C;
	[tilespmem:v63+s10+$0x0] =	vst.idx.msk vm2, v14  }
.LBB2_9:
0xa3: {  	p0 =	slt.s32 s20, $0x1  }
.Ltmp7:
0xa4: {  	_ = 	snop;
	(pc) =	sbr.rel @p0 .LBB2_11-.Ltmp7, $2  }
0xa5: {  	_ =	sdelay $0x2  }
0xa6: {  	s21 =	simm.s32 $0x4000  }
.LBB2_10:
0xa7: {  	v11 =	vld [tilespmem:s21+$0x0];
	_ =	sdelay $0x4  }
0xa8: {  	v11 =	vsub.s32 v11, v0;
	_ =	sdelay $0x4  }
0xa9: {  	v11 =	vld.idx.msk [tilespmem:v11+s13+$0x0], $0xffff;
	_ =	sdelay $0x4  }
0xaa: {  	[tilespmem:$0xCA18] =	vst v11  }
0xab: {  	v11 =	vld [tilespmem:s21+$0x10];
	_ =	sdelay $0x4  }
0xac: {  	v11 =	vsub.s32 v11, v0;
	_ =	sdelay $0x4  }
0xad: {  	v11 =	vld.idx.msk [tilespmem:v11+s13+$0x0], $0xffff;
	_ =	sdelay $0x4  }
0xae: {  	[tilespmem:$0xCA28] =	vst v11  }
0xaf: {  	v11 =	vld [tilespmem:s21+$0x20];
	_ =	sdelay $0x4  }
0xb0: {  	v11 =	vsub.s32 v11, v0;
	_ =	sdelay $0x4  }
0xb1: {  	v11 =	vld.idx.msk [tilespmem:v11+s13+$0x0], $0xffff;
	_ =	sdelay $0x4  }
0xb2: {  	[tilespmem:$0xCA38] =	vst v11  }
0xb3: {  	v11 =	vld [tilespmem:s21+$0x30];
	_ =	sdelay $0x4  }
0xb4: {  	v11 =	vsub.s32 v11, v0;
	_ =	sdelay $0x4  }
0xb5: {  	v11 =	vld.idx.msk [tilespmem:v11+s13+$0x0], $0xffff;
	_ =	sdelay $0x4  }
0xb6: {  	[tilespmem:$0xCA48] =	vst v11  }
0xb7: {  	v11 =	vld [tilespmem:s21+$0x40];
	_ =	sdelay $0x4  }
0xb8: {  	v11 =	vsub.s32 v11, v0;
	_ =	sdelay $0x4  }
0xb9: {  	v11 =	vld.idx.msk [tilespmem:v11+s13+$0x0], $0xffff;
	_ =	sdelay $0x4  }
0xba: {  	[tilespmem:$0xCA58] =	vst v11  }
0xbb: {  	v11 =	vld [tilespmem:s21+$0x50];
	_ =	sdelay $0x4  }
0xbc: {  	v11 =	vsub.s32 v11, v0;
	_ =	sdelay $0x4  }
0xbd: {  	v11 =	vld.idx.msk [tilespmem:v11+s13+$0x0], $0xffff;
	_ =	sdelay $0x4  }
0xbe: {  	[tilespmem:$0xCA68] =	vst v11  }
0xbf: {  	v11 =	vld [tilespmem:s21+$0x60];
	_ =	sdelay $0x4  }
0xc0: {  	v11 =	vsub.s32 v11, v0;
	_ =	sdelay $0x4  }
0xc1: {  	v11 =	vld.idx.msk [tilespmem:v11+s13+$0x0], $0xffff;
	_ =	sdelay $0x4  }
0xc2: {  	[tilespmem:$0xCA78] =	vst v11  }
0xc3: {  	v11 =	vld [tilespmem:s21+$0x70];
	_ =	sdelay $0x4  }
0xc4: {  	v11 =	vsub.s32 v11, v0;
	_ =	sdelay $0x4  }
0xc5: {  	v11 =	vld.idx.msk [tilespmem:v11+s13+$0x0], $0xffff;
	_ =	sdelay $0x4  }
0xc6: {  	[tilespmem:$0xCA88] =	vst v11  }
0xc7: {  	[tilespmem:s16], [sflag:$0x1] =	stream.indirect.gather [hbm4b:s6+s14], $0x40, s15, s14, $0xb8;
	[tilespmem:$0xEB18] =	vst v63  }
0xc8: {  	_ = 	snop  }
0xc9: {  	[tilespmem:s17], [sflag:$0x1] =	stream.indirect.gather [hbm4b:s4+s14], $0x1, s15, s14, $0xb8;
	[tilespmem:$0xEB18] =	vst v63  }
0xca: {  	_ =	swait.ge [sflag:s12], $0x2000  }
0xcb: {  	[sflag:s12] =	ssyncset.done $0x0  }
0xcc: {  	[sflag:s12] =	ssyncadd.s32 $0xFFFFE000  }
0xcd: {  	_ =	swait.ge [sflag:s12], $0x80  }
0xce: {  	[sflag:s12] =	ssyncset.done $0x0  }
0xcf: {  	[sflag:s12] =	ssyncadd.s32 $0xFFFFFF80  }
0xd0: {  	[hbm4b:s1+s14] =	stream.indirect.scatter [tilespmem:s16], [sflag:$0x2], $0x40, s21, s14, $0xb8;
	[tilespmem:$0xEB18] =	vst v63  }
0xd1: {  	_ = 	snop  }
0xd2: {  	[hbm4b:s2+s14] =	stream.indirect.scatter [tilespmem:s17], [sflag:$0x2], $0x1, s21, s14, $0xb8;
	[tilespmem:$0xEB18] =	vst v63  }
0xd3: {  	p0 =	sne.s32 s20, $0x1;
	_ =	swait.ge [sflag:s18], $0x2000  }
.Ltmp8:
0xd4: {  	[sflag:s18] =	ssyncset.done $0x0;
	(pc) =	sbr.rel @p0 .LBB2_10-.Ltmp8, $4  }
0xd5: {  	[sflag:s18] =	ssyncadd.s32 $0xFFFFE000  }
0xd6: {  	_ =	swait.ge [sflag:s18], $0x80  }
0xd7: {  	[sflag:s18] =	ssyncset.done $0x0  }
0xd8: {  	s20 =	sadd.s32 $0xFFFFFFFF, s20;
	s21 =	sadd.s32 $0x80, s21;
	[sflag:s18] =	ssyncadd.s32 $0xFFFFFF80  }
.Ltmp9:
0xd9: {  	_ = 	snop;
	(pc) =	sbr.rel .LBB2_11-.Ltmp9, $1  }
0xda: {  	_ =	sdelay $0x3  }
.LBB2_12:
0xdb: {  	_ =	sfence.sel $0x180000  }
0xdc: {  	[bflag:$0x0] =	sbarrier.arrive $0xFFFF  }
0xdd: {  	p0 =	sne.s32 s0, $0x0;
	_ =	strace $0x9000004A  }
0xde: {  	s0 =	sadd.s32 @!p0 $0x100000, s3;
	[bflag:$0x2] =	sbarrier.arrive $0xFFFF  }
0xdf: {  	[sflag:s0] =	ssyncadd.tile.s32 @!p0 $0x1;
	_ =	shalt  }
.Lfunc_end2:
_tile_overlayer_lowered:
.L_overlay_start_2:
0xe0: {  	(tag) =	ssettag $0x2  }
0xe1: {  	s0 =	rddreg [dreg:$0x0];
	s2 =	stileid.u32  }
0xe2: {  	s1 =	rddreg [dreg:$0x1];
	p0 =	sne.s32 s2, $0x0  }
0xe3: {  	s3 =	rddreg [dreg:$0x2];
	[bflag:$0x3] =	sbarrier.arrive $0xFFFF;
	s2 =	simm.s32 @!p0 $0x1C03  }
0xe4: {  	[timem:s3], [sflag:s2] =	dma.local @!p0 [hbm:s0], s1  }
0xe5: {  	s0 =	simm.s32 @!p0 $0x3  }
0xe6: {  	_ =	swait.ge @!p0 [sflag:s0], s1  }
0xe7: {  	s1 =	ssub.s32 @!p0 $0x0, s1;
	[sflag:s0] =	ssyncset.done @!p0 $0x0  }
0xe8: {  	[sflag:s0] =	ssyncadd.s32 @!p0 s1  }
0xe9: {  	[bflag:$0x3] =	sbarrier.arrive $0xFFFF  }
0xea: {  	_ =	shalt  }

// kernel: sparse-core-data-format-call.cloned.1.call-start
scs
called_computation_lowered:
.L_overlay_start_0:
0x0: {  	s2 =	sld [smem:$0x3FD9]  }
0x1: {  	s3 =	sld [smem:$0x3FFE];
	_ =	sdelay $0x1  }
0x2: {  	s1 =	srdreg.scid  }
0x3: {  	s0 =	sand.u32 $0x1, s1  }
0x4: {  	s15 =	sshll.u32 s0, $0xA;
	s2 =	sadd.s32 s3, s2  }
0x5: {  	s2 =	sadd.s32 s2, s15  }
0x6: {  	[smem:$0x3FBF] =	sst s2  }
0x7: {  	_ = 	snop  }
0x8: {  	s2 =	sld [smem:$0x3FD0];
	_ =	sdelay $0x2  }
0x9: {  	s16 =	simm.s32 $0xA;
	s4 =	simm.s32 $0x10  }
0xa: {  	[smem:s4], [sflag:s16] =	dma.local [hbm:s2], $0x1  }
0xb: {  	_ =	swait.eq [sflag:s16], $0x1  }
0xc: {  	[sflag:s16] =	ssyncset.done $0x0  }
0xd: {  	[sflag:s16] =	ssyncadd.s32 $0xFFFFFFFF  }
0xe: {  	s17 =	sld [smem:$0x10];
	(tm) =	ssettm $0x1  }
0xf: {  	s18 =	sld [smem:$0x3FFB];
	_ =	sdelay $0x3  }
0x10: {  	_ =	strace s18  }
0x11: {  	s3 =	sld [smem:$0x3FFC];
	_ =	sdelay $0x3  }
0x12: {  	_ =	strace s3  }
0x13: {  	s3 =	sld [smem:$0x3FFD];
	_ =	sdelay $0x3  }
0x14: {  	_ =	strace s3  }
0x15: {  	_ =	strace $0x8FFFFFFF  }
0x16: {  	s19 =	sld [smem:$0x3FDB];
	_ =	sdelay $0x1  }
0x17: {  	s20 =	simm.s32 $_scs_section_size  }
0x18: {  	s5 =	simm.s32 $_size__tile_overlayer_lowered;
	s6 =	simm.s32 $_tile_overlayer_lowered  }
0x19: {  	s23 =	simm.s32 $0x1BFF;
	s22 =	sshll.u32 s6, $0x1;
	s3 =	sadd.s32 s20, s19  }
0x1a: {  	s7 =	simm.s32 $0x0;
	s21 =	sshll.u32 s5, $0x1;
	s5 =	sadd.s32 s22, s3  }
0x1b: {  	[timem:s7], [sflag:s23] =	dma.local [hbm:s5], s21  }
0x1c: {  	_ =	swait.ge [sflag:s23], s21  }
0x1d: {  	s4 =	ssub.s32 $0x0, s21;
	[sflag:s23] =	ssyncset.done $0x0  }
0x1e: {  	[sflag:s23] =	ssyncadd.s32 s4;
	_ =	sdelay $0x1  }
0x1f: {  	s24 =	simm.s32 $0x1B8B  }
0x20: {  	_ =	swait.ge [sflag:s24], $0x1  }
0x21: {  	[sflag:s24] =	ssyncset.done $0x0  }
0x22: {  	s26 =	simm.s32 $0x1B8E;
	s25 =	sld [smem:$0x3FFE];
	[sflag:s24] =	ssyncadd.s32 $0xFFFFFFFF  }
0x23: {  	s27 =	simm.s32 $execute0_lowered;
	[smem:$0x3FD2] =	sst s26  }
0x24: {  	s5 =	sshll.u32 s27, $0x1;
	_ =	strace $0x8000004C;
	[dreg:$0x1] =	wrdreg $0xFFFFFFFF  }
0x25: {  	s28 =	simm.s32 $_size_execute0_lowered;
	s3 =	sadd.s32 s3, s5;
	[dreg:$0x0] =	wrdreg $0x0  }
0x26: {  	s5 =	sshll.u32 s28, $0x1;
	[dreg:$0x2] =	wrdreg s3  }
0x27: {  	[dreg:$0x3] =	wrdreg s5  }
0x28: {  	[dreg:$0x4] =	wrdreg $0xC0  }
0x29: {  	_ =	task [dreg:s7], $0x5FFFF  }
0x2a: {  	[dreg:$0x1] =	wrdreg $0xFFFFFFFF  }
0x2b: {  	[dreg:$0x0] =	wrdreg $0x60  }
0x2c: {  	[dreg:$0x2] =	wrdreg s25  }
0x2d: {  	[dreg:$0x3] =	wrdreg s17  }
0x2e: {  	[dreg:$0x4] =	wrdreg $0x9  }
0x2f: {  	_ =	task.clear_ibuf [dreg:s7], $0x5FFFF;
	_ =	strace $0x9000004C  }
0x30: {  	s29 =	simm.s32 $0x9;
	_ =	strace $0x8000004E  }
0x31: {  	_ =	swait.ge [sflag:s29], $0x1  }
0x32: {  	[sflag:s29] =	ssyncadd.s32 $0xFFFFFFFF  }
0x33: {  	_ =	strace $0x9000004E  }
0x34: {  	_ =	sfence  }
0x35: {  	s30 =	sld [smem:$0x0];
	_ =	sdelay $0x2  }
0x36: {  	s31 =	sshll.u32 s1, $0xD;
	s1 =	sshrl.u32 s1, $0x2  }
0x37: {  	s3 =	sand.u32 $0x4000, s31;
	s1 =	sadd.s32 s1, s30  }
0x38: {  	s0 =	sor.u32 s3, s0;
	s1 =	sshll.u32 s1, $0x11  }
0x39: {  	s0 =	sor.u32 s1, s0  }
0x3a: {  	s0 =	sadd.s32 $0x8F2B, s0  }
0x3b: {  	[sflag:s0] =	ssyncadd.remote.s32 $0x1  }
0x3c: {  	_ =	sfence.sel $0xFFFF  }
0x3d: {  	[dreg:$0x0] =	wrdreg $0xFFFFFFFF;
	(pc) =	sbr.abs _section_cstart, $3  }
0x3e: {  	[dreg:$0x1] =	wrdreg $0xFFFFFFFF  }
0x3f: {  	_ =	task.clear_ibuf [dreg:s7], $0x2FFFF;
	_ =	strace $0x9FFFFFFF  }
0x40: {  	(tm) =	ssettm $0x7FFFFFFF  }
0x41: {  	_ =	shalt  }
tec
execute0_lowered:
.L_overlay_start_1:
0x0: {  	(tag) =	ssettag $0x1  }
0x1: {  	s4 =	rddreg [dreg:$0x0]  }
0x2: {  	s0 =	srdreg.scid;
	s2 =	rddreg [dreg:$0x1]  }
0x3: {  	s1 =	stileid.u32;
	s5 =	simm.s32 $0x1;
	s0 =	sshll.u32 s0, $0x4  }
0x4: {  	s7 =	simm.s32 $0x2;
	s11 =	simm.s32 $0x0;
	s3 =	sand.u32 $0x10, s0  }
.Ltmp0:
0x5: {  	p0 =	por $0x0, $0x0;
	s3 =	sor.u32 s1, s3;
	(pc) =	sbr.rel .LBB1_1-.Ltmp0, $4  }
0x6: {  	s8 =	simm.s32 $0x7A1400;
	s10 =	simm.s32 $0x0;
	s3 =	sshll.u32 s3, $0x7  }
0x7: {  	s0 =	rddreg [dreg:$0x2];
	_ =	strace $0x8000004D;
	s6 =	ssub.s32 $0xF4200, s3  }
0x8: {  	s4 =	sadd.s32 $0x2400, s4;
	[sflag:s5] =	ssyncpa.u1 $0x0;
	s6 =	sshrl.u32 s6, $0xC  }
0x9: {  	[sflag:s7] =	ssyncpa.u1 $0x0;
	s9 =	smov.u32 s3;
	s7 =	sadd.s32 $0x2, s6  }
.LBB1_5:
0xa: {  	s13 =	sadd.s32 $0x1000, s9  }
0xb: {  	p2 =	sgt.s32 s13, $0xF423F  }
0xc: {  	s13 =	smov.u32 @p2 s3;
	p2 =	sne.s32 s10, s7  }
.Ltmp1:
0xd: {  	p1 =	slt.u32 s10, $0x2;
	(pc) =	sbr.rel @!p2 .LBB1_6-.Ltmp1, $4  }
0xe: {  	s12 =	simm.s32 @!p1 $0x2  }
0xf: {  	s14 =	sadd.s32 $0x1, s10;
	_ =	swait.ge @!p1 [sflag:s12], $0x2000  }
0x10: {  	s11 =	smov.u32 s9;
	p0 =	por !p0, !p0;
	[sflag:s12] =	ssyncset.done @!p1 $0x0  }
0x11: {  	s10 =	smov.u32 s14;
	s9 =	smov.u32 s13;
	[sflag:s12] =	ssyncadd.s32 @!p1 $0xFFFFE000  }
.LBB1_1:
0x12: {  	p1 =	sgt.u32 s10, s6  }
0x13: {  	s13 =	smov.u32 s9;
	p2 =	sgt.s32 @!p1 s9, $0xF41C0  }
0x14: {  	s12 =	sand.u32 @!p1 $0x1FFFFFF, s9;
	s14 =	sshra.s32 @!p1 s9, $0x1F;
	p2 =	por !p2, p1  }
0x15: {  	s15 =	smulhi.u32 @!p1 $0x218DEF5, s12;
	s14 =	sand.u32 @!p1 s14, s9;
	s13 =	simm.s32 @p2 $0xF41C0  }
0x16: {  	s13 =	ssub.s32 @!p1 s13, s14  }
0x17: {  	s14 =	sshrl.u32 @!p1 s15, $0xD;
	s13 =	sadd.s32 @!p1 $0xFFF0BE40, s13  }
0x18: {  	s15 =	sxor.u32 @!p1 $0xFFFFFFFF, s10;
	s14 =	smul.u32 @!p1 $0xF4240, s14;
	s16 =	sshll.u32 @!p1 s13, $0x8  }
0x19: {  	s15 =	sshll.u32 @!p1 s15, $0xD;
	p2 =	sgt.s32 @!p1 s13, $0x7F;
	s13 =	ssub.s32 @!p1 $0x8000, s16  }
0x1a: {  	s12 =	ssub.s32 @!p1 s12, s14;
	p2 =	por !p2, p1;
	s14 =	sand.u32 @!p1 $0x2000, s15  }
0x1b: {  	s15 =	simm.s32 @!p1 $0x40;
	s13 =	sshrl.u32 @!p1 s13, $0x2;
	s12 =	sshll.u32 @!p1 s12, $0x4  }
0x1c: {  	s16 =	simm.s32 @!p1 $0x80;
	s13 =	simm.s32 @!p2 $0x0;
	s12 =	sadd.s32 @!p1 s4, s12  }
0x1d: {  	[tilespmem:s14], [sflag:$0x1] =	stream.strided.gather @!p1 [hbm4b:s12+s15], s13, s16, s15, $0x38;
	[tilespmem:$0x8080] =	vst v63  }
0x1e: {  	p1 =	seq.s32 s10, $0x0  }
0x1f: {  	p2 =	sge.u32 @!p1 s10, s7  }
0x20: {  	p1 =	por p1, p2  }
.Ltmp2:
0x21: {  	_ = 	snop;
	(pc) =	sbr.rel @p1 .LBB1_5-.Ltmp2, $1  }
0x22: {  	_ =	sdelay $0x3  }
0x23: {  	p1 =	sgt.s32 s11, $0xF41C0;
	s12 =	smov.u32 s11;
	s13 =	sshra.s32 s11, $0x1F  }
0x24: {  	s12 =	simm.s32 @!p1 $0xF41C0;
	s13 =	sand.u32 s13, s11  }
0x25: {  	s12 =	ssub.s32 s12, s13  }
0x26: {  	s12 =	sadd.s32 $0xFFF0BE40, s12  }
0x27: {  	s28 =	sshll.u32 s12, $0x8  }
0x28: {  	s13 =	ssub.s32 $0x8000, s28  }
0x29: {  	p1 =	sgt.s32 s12, $0x7F;
	s12 =	sshrl.u32 s13, $0x2  }
0x2a: {  	s13 =	simm.s32 $0x1;
	s12 =	simm.s32 @p1 $0x0  }
0x2b: {  	s13 =	simm.s32 @!p0 $0x0;
	_ =	swait.ge [sflag:s5], s12  }
0x2c: {  	s14 =	sshll.u32 s13, $0xD;
	s12 =	ssub.s32 $0x0, s12;
	[sflag:s5] =	ssyncset.done $0x0  }
0x2d: {  	s16 =	sor.u32 $0x20, s14;
	[sflag:s5] =	ssyncadd.s32 s12  }
0x2e: {  	s29 =	smul.u32 $0x8100, s13;
	v3 =	vld [tilespmem:s16+$0x10]  }
0x2f: {  	s30 =	sand.u32 $0x1, s10;
	v2 =	vld [tilespmem:s16+$0xFFFFFFF0]  }
0x30: {  	s13 =	smul.u32 $0x8100, s30;
	s12 =	sshrl.u32 s29, $0x2;
	v0 =	vld [tilespmem:s16+$0x0]  }
0x31: {  	s14 =	sor.u32 $0x4000, s12;
	v1 =	vld [tilespmem:s16+$0xFFFFFFE0]  }
0x32: {  	s31 =	sshrl.u32 s13, $0x2;
	s13 =	sadd.s32 $0x0, s14  }
0x33: {  	s15 =	simm.s32 $0x4;
	s12 =	sor.u32 $0x4000, s31;
	s16 =	sadd.s32 $0x40, s16;
	[tilespmem:s13+$0x1830 ss:$0x81] =	vst.msk $0xffff, v3  }
.LBB1_3:
0x34: {  	v3 =	vld [tilespmem:s16+$0x10];
	p1 =	sne.s32 s15, $0x1FC;
	[tilespmem:s13+$0x810 ss:$0x81] =	vst.msk $0xffff, v2;
	s17 =	smov.u32 s15;
	s15 =	sadd.s32 $0x4, s15  }
.Ltmp3:
0x35: {  	v2 =	vld [tilespmem:s16+$0xFFFFFFF0];
	[tilespmem:s13+$0x1020 ss:$0x81] =	vst.msk $0xffff, v0;
	(pc) =	sbr.rel @p1 .LBB1_3-.Ltmp3, $4  }
0x36: {  	v0 =	vld [tilespmem:s16+$0x0];
	[tilespmem:s13+$0x0 ss:$0x81] =	vst.msk $0xffff, v1  }
0x37: {  	s13 =	sshra.s32 s17, $0x2;
	v1 =	vld [tilespmem:s16+$0xFFFFFFE0]  }
0x38: {  	s13 =	sadd.s32 s13, s14  }
0x39: {  	s16 =	sadd.s32 $0x40, s16;
	[tilespmem:s13+$0x1830 ss:$0x81] =	vst.msk $0xffff, v3  }
0x3a: {  	s14 =	sshll.u32 s11, $0x3  }
0x3b: {  	s30 =	sand.u32 $0x7F, s11;
	s14 =	sand.u32 $0xFFFFFC00, s14  }
0x3c: {  	s11 =	sor.u32 s30, s14  }
0x3d: {  	s15 =	smulhi.u32 $0x218D6287, s11;
	_ =	sdelay $0x1  }
0x3e: {  	s14 =	smulhi.u32 $0x218D6287, s14;
	s15 =	sshrl.u32 s15, $0x11  }
0x3f: {  	s15 =	smul.u32 $0xF4280, s15  }
0x40: {  	s14 =	sshrl.u32 s14, $0x11  }
.Ltmp4:
0x41: {  	s14 =	sand.u32 $0x3F, s14;
	s11 =	ssub.s32 s11, s15;
	(pc) =	sbr.rel .LBB1_5-.Ltmp4, $4  }
0x42: {  	[tilespmem:s13+$0x810 ss:$0x81] =	vst.msk $0xffff, v2;
	s14 =	smul.u32 $0x1E850, s14;
	s15 =	sshrl.u32 s11, $0x3;
	s11 =	sand.u32 $0x7, s11  }
0x43: {  	[tilespmem:s13+$0x1020 ss:$0x81] =	vst.msk $0xffff, v0;
	s15 =	sadd.s32 s2, s15;
	s11 =	sshll.u32 s11, $0x12  }
0x44: {  	[tilespmem:s13+$0x0 ss:$0x81] =	vst.msk $0xffff, v1;
	s31 =	sadd.s32 s14, s15;
	s11 =	sor.u32 $0x400, s11  }
0x45: {  	[hbm4b:s31+s11] =	stream.strided.scatter [tilespmem:s12], [sflag:$0x2], $0x2000, s8, s11, $0x20;
	[tilespmem:$0x8080] =	vst v63  }
.LBB1_6:
0x46: {  	_ =	sfence.sel $0x180000  }
0x47: {  	s2 =	simm.s32 $0x1;
	[bflag:$0x0] =	sbarrier.arrive $0xFFFF  }
0x48: {  	s31 =	simm.s32 $0x2;
	[sflag:s2] =	ssyncpa.u1 $0x1  }
0x49: {  	[sflag:s31] =	ssyncpa.u1 $0x1  }
0x4a: {  	p0 =	sne.s32 s1, $0x0;
	_ =	strace $0x9000004D  }
0x4b: {  	s0 =	sadd.s32 @!p0 $0x100000, s0;
	[bflag:$0x2] =	sbarrier.arrive $0xFFFF  }
0x4c: {  	[sflag:s0] =	ssyncadd.tile.s32 @!p0 $0x1;
	_ =	shalt  }
.Lfunc_end1:
_tile_overlayer_lowered:
.L_overlay_start_2:
0x4d: {  	(tag) =	ssettag $0x2  }
0x4e: {  	s0 =	rddreg [dreg:$0x0];
	s2 =	stileid.u32  }
0x4f: {  	s1 =	rddreg [dreg:$0x1];
	p0 =	sne.s32 s2, $0x0  }
0x50: {  	s3 =	rddreg [dreg:$0x2];
	[bflag:$0x3] =	sbarrier.arrive $0xFFFF;
	s2 =	simm.s32 @!p0 $0x1C01  }
0x51: {  	[timem:s3], [sflag:s2] =	dma.local @!p0 [hbm:s0], s1  }
0x52: {  	s0 =	simm.s32 @!p0 $0x1  }
0x53: {  	_ =	swait.ge @!p0 [sflag:s0], s1  }
0x54: {  	s1 =	ssub.s32 @!p0 $0x0, s1;
	[sflag:s0] =	ssyncset.done @!p0 $0x0  }
0x55: {  	[sflag:s0] =	ssyncadd.s32 @!p0 s1  }
0x56: {  	[bflag:$0x3] =	sbarrier.arrive $0xFFFF  }
0x57: {  	_ =	shalt  }

</sc_bundles>
